<compile_context>
chip_gen: v7x
topology: tpu7x:2x2x1
jax: 0.10.2.dev20260603
libtpu: 0.0.44.dev20260713+nightly
codegen_flags: <defaults>
</compile_context>

<pallas_src>
import functools

import jax
import jax.numpy as jnp
from jax import lax
from jax.experimental import pallas as pl
from jax.experimental.pallas import tpu as pltpu
from jax.experimental.pallas import tpu_sc as plsc

N = 10000
E = 320000
D = 128

NC = 2
NS = 16
NW = NC * NS
EPW = E // NW
CHUNK = 80
NCHUNK = EPW // CHUNK
RPT = 624
TAIL = N - RPT * NS


def _striped_copy(s, copy):
    copy(s * RPT, RPT)

    @pl.when(s == NS - 1)
    def _():
        copy(NS * RPT, TAIL)

_MESH = plsc.VectorSubcoreMesh(core_axis_name="c", subcore_axis_name="s")



_SC_AGG_KW = dict(
    out_type=jax.ShapeDtypeStruct((NC * N, D), jnp.float32),
    mesh=_MESH,
    scratch_types=[
        pltpu.VMEM((EPW,), jnp.int32),
        pltpu.VMEM((NCHUNK, CHUNK), jnp.int32),
        pltpu.VMEM((CHUNK, D), jnp.float32),
        pltpu.VMEM((CHUNK, D), jnp.float32),
        pltpu.VMEM_SHARED((N, D), jnp.float32),
        pltpu.SemaphoreType.DMA,
        pltpu.SemaphoreType.DMA,
    ],
)


def _agg_step(h, srcv, dstv, aggsh, j, cur, csem, nxt, nsem):
    @pl.when(j + 1 < NCHUNK)
    def _():
        pltpu.async_copy(h.at[srcv.at[pl.ds((j + 1) * CHUNK, CHUNK)]], nxt, nsem)

    pltpu.make_async_copy(h.at[srcv.at[pl.ds(j * CHUNK, CHUNK)]], cur, csem).wait()
    pltpu.sync_copy(cur, aggsh.at[dstv.at[j]], add=True)


_DEG_WND = 64


def _agg_impl(h, src, dst, zeros, agg_out, deg_out,
              srcv, dstv, rows0, rows1, aggsh, gsem0, gsem1, ssem):
    c = lax.axis_index("c")
    s = lax.axis_index("s")
    wid = s * NC + c
    pltpu.async_copy(src.at[wid], srcv, gsem0)
    pltpu.async_copy(dst.at[wid], dstv, gsem1)

    if deg_out is None:
        pltpu.make_async_copy(src.at[wid], srcv, gsem0).wait()
        pltpu.async_copy(h.at[srcv.at[pl.ds(0, CHUNK)]], rows0, gsem0)

    _striped_copy(s, lambda r0, nr: pltpu.sync_copy(
        zeros.at[pl.ds(r0, nr)], aggsh.at[pl.ds(r0, nr)]))

    if deg_out is not None:
        def fill(i, carry):
            for k in range(D // 16):
                rows0[i, pl.ds(k * 16, 16)] = jnp.ones((16,), jnp.float32)
            return carry

        lax.fori_loop(0, CHUNK, fill, 0)
        pltpu.make_async_copy(src.at[wid], srcv, gsem0).wait()

    pltpu.make_async_copy(dst.at[wid], dstv, gsem1).wait()

    if deg_out is not None:
        plsc.subcore_barrier()

        def dstep(j, carry):
            pltpu.async_copy(rows0, aggsh.at[dstv.at[j]], ssem, add=True)

            @pl.when(j >= _DEG_WND)
            def _():
                pltpu.make_async_copy(rows0, aggsh.at[dstv.at[0]], ssem).wait()

            return carry

        lax.fori_loop(0, NCHUNK, dstep, 0)

        def ddrain(j, carry):
            pltpu.make_async_copy(rows0, aggsh.at[dstv.at[0]], ssem).wait()
            return carry

        lax.fori_loop(0, _DEG_WND, ddrain, 0)
        pltpu.async_copy(h.at[srcv.at[pl.ds(0, CHUNK)]], rows0, gsem0)
        plsc.subcore_barrier()
        _striped_copy(s, lambda r0, nr: pltpu.sync_copy(
            aggsh.at[pl.ds(r0, nr)], deg_out.at[pl.ds(c * N + r0, nr)]))

    plsc.subcore_barrier()

    def pair(p, carry):
        j = 2 * p
        _agg_step(h, srcv, dstv, aggsh, j, rows0, gsem0, rows1, gsem1)
        _agg_step(h, srcv, dstv, aggsh, j + 1, rows1, gsem1, rows0, gsem0)
        return carry

    lax.fori_loop(0, NCHUNK // 2, pair, 0)
    if NCHUNK % 2:
        _agg_step(h, srcv, dstv, aggsh, NCHUNK - 1, rows0, gsem0, rows1, gsem1)
    plsc.subcore_barrier()
    _striped_copy(s, lambda r0, nr: pltpu.sync_copy(
        aggsh.at[pl.ds(r0, nr)], agg_out.at[pl.ds(c * N + r0, nr)]))


def _sc_agg_body(h, src, dst, zeros, agg_out,
                 srcv, dstv, rows0, rows1, aggsh, gsem0, gsem1):
    _agg_impl(h, src, dst, zeros, agg_out, None,
              srcv, dstv, rows0, rows1, aggsh, gsem0, gsem1, None)


def _sc_agg_deg_body(h, src, dst, zeros, agg_out, deg_out,
                     srcv, dstv, rows0, rows1, aggsh, gsem0, gsem1, ssem):
    _agg_impl(h, src, dst, zeros, agg_out, deg_out,
              srcv, dstv, rows0, rows1, aggsh, gsem0, gsem1, ssem)


_sc_agg = pl.kernel(_sc_agg_body, **_SC_AGG_KW)

_SC_AGG_DEG_KW = dict(
    out_type=(
        jax.ShapeDtypeStruct((NC * N, D), jnp.float32),
        jax.ShapeDtypeStruct((NC * N, D), jnp.float32),
    ),
    mesh=_MESH,
    scratch_types=list(_SC_AGG_KW["scratch_types"]) + [pltpu.SemaphoreType.DMA],
)

_sc_agg_deg = pl.kernel(_sc_agg_deg_body, **_SC_AGG_DEG_KW)



BLK = 2000
NBLK = N // BLK


def _make_tc_body(sub_deg):
    def _tc_body(x_ref, a0_ref, a1_ref, d0_ref, d1_ref,
                 ws_ref, wn_ref, bs_ref, bn_ref, o_ref):
        deg = d0_ref[:, :1] + d1_ref[:, :1]
        inv = 1.0 / jnp.maximum(deg, 1.0)
        asum = a0_ref[...] + a1_ref[...]
        if sub_deg:
            asum = asum - d0_ref[...] - d1_ref[...]
        hn = asum * inv
        cat = jnp.concatenate([x_ref[...], hn], axis=1)
        wcat = jnp.concatenate([ws_ref[...], wn_ref[...]], axis=0)
        o_ref[...] = (
            jnp.dot(cat, wcat, preferred_element_type=jnp.float32)
            + bs_ref[...] + bn_ref[...]
        )

    return _tc_body


def _tc_combine(x, aggp, degp, w_self, w_neigh, b_self, b_neigh, sub_deg):
    return pl.pallas_call(
        _make_tc_body(sub_deg),
        grid=(NBLK,),
        in_specs=[
            pl.BlockSpec((BLK, D), lambda i: (i, 0)),
            pl.BlockSpec((BLK, D), lambda i: (i, 0)),
            pl.BlockSpec((BLK, D), lambda i: (i + NBLK, 0)),
            pl.BlockSpec((BLK, D), lambda i: (i, 0)),
            pl.BlockSpec((BLK, D), lambda i: (i + NBLK, 0)),
            pl.BlockSpec((D, D), lambda i: (0, 0)),
            pl.BlockSpec((D, D), lambda i: (0, 0)),
            pl.BlockSpec((1, D), lambda i: (0, 0)),
            pl.BlockSpec((1, D), lambda i: (0, 0)),
        ],
        out_specs=pl.BlockSpec((BLK, D), lambda i: (i, 0)),
        out_shape=jax.ShapeDtypeStruct((N, D), jnp.float32),
    )(x, aggp, aggp, degp, degp, w_self, w_neigh, b_self, b_neigh)



def kernel(x, edge_index, W_self1, b_self1, W_neigh1, b_neigh1,
           W_self2, b_self2, W_neigh2, b_neigh2):
    src = edge_index[0].reshape(NW, EPW)
    dst = edge_index[1].reshape(NW, NCHUNK, CHUNK)
    zeros = jnp.zeros((N, D), jnp.float32)

    agg1, degp = _sc_agg_deg(x, src, dst, zeros)
    h1 = _tc_combine(x, agg1, degp, W_self1, W_neigh1,
                     b_self1.reshape(1, D), b_neigh1.reshape(1, D),
                     sub_deg=True)
    agg2 = _sc_agg(h1, src, dst, zeros)
    h2 = _tc_combine(h1, agg2, degp, W_self2, W_neigh2,
                     b_self2.reshape(1, D), b_neigh2.reshape(1, D),
                     sub_deg=False)
    return h2

# --- scband reference (transcript-rebuilt; emitter-appended) ---
"""Pipeline reference for scband-graph-sage-79328045957723 (READ-ONLY COPY).

The authoritative reference and input builder live on the scoring server;
editing this copy changes nothing except your own understanding.
"""

import jax, jax.numpy as jnp
import numpy as np

N = 10000
E = 320000
D = 128


def _lin_params(k, din, dout):
    kw, kb = jax.random.split(k)
    s = 1.0 / np.sqrt(din)
    W = jax.random.uniform(kw, (din, dout), minval=-s, maxval=s, dtype=jnp.float32)
    b = jax.random.uniform(kb, (dout,), minval=-s, maxval=s, dtype=jnp.float32)
    return W, b


def setup_inputs(seed: int = 0) -> dict:
    key = jax.random.key(seed)
    ks = jax.random.split(key, 6)
    x = jax.random.normal(ks[0], (N, D), dtype=jnp.float32)
    edge_index = jax.random.randint(ks[1], (2, E), 0, N, dtype=jnp.int32)
    W_self1, b_self1 = _lin_params(ks[2], D, D)
    W_neigh1, b_neigh1 = _lin_params(ks[3], D, D)
    W_self2, b_self2 = _lin_params(ks[4], D, D)
    W_neigh2, b_neigh2 = _lin_params(ks[5], D, D)
    return {
        "x": x,
        "edge_index": edge_index,
        "W_self1": W_self1, "b_self1": b_self1,
        "W_neigh1": W_neigh1, "b_neigh1": b_neigh1,
        "W_self2": W_self2, "b_self2": b_self2,
        "W_neigh2": W_neigh2, "b_neigh2": b_neigh2,
    }


def _sage_conv(h, edge_index, W_self, b_self, W_neigh, b_neigh):
    # DGL-style SAGEConv with 'mean' aggregator:
    #   rst = fc_self(h_dst) + fc_neigh(mean_{u in N(v)} h_u)
    src = edge_index[0]
    dst = edge_index[1]
    msg = jnp.take(h, src, axis=0)                       # gather: [E, D]
    agg = jax.ops.segment_sum(msg, dst, num_segments=N)  # scatter-add: [N, D]
    deg = jax.ops.segment_sum(jnp.ones((E,), dtype=h.dtype), dst, num_segments=N)
    h_neigh = agg / jnp.clip(deg, 1.0)[:, None]
    return h @ W_self + b_self + h_neigh @ W_neigh + b_neigh


def reference(x, edge_index, W_self1, b_self1, W_neigh1, b_neigh1,
              W_self2, b_self2, W_neigh2, b_neigh2):
    h = _sage_conv(x, edge_index, W_self1, b_self1, W_neigh1, b_neigh1)
    h = _sage_conv(h, edge_index, W_self2, b_self2, W_neigh2, b_neigh2)
    return h

if __name__ == "__main__":
    import jax
    _d = setup_inputs()
    print(jax.jit(kernel)(*tuple(_d.values())))

</pallas_src>

<mosaic_0001>
#map = affine_map<(d0, d1) -> (0, 0)>
#map1 = affine_map<(d0, d1) -> (0, 0, 0)>
module attributes {stable_mosaic.version = 14 : i64} {
  func.func @_sc_agg_deg_body(%arg0: i32, %arg1: i32, %arg2: memref<10000x128xf32, #tpu.memory_space<hbm>>, %arg3: memref<32x10000xi32, #tpu.memory_space<hbm>>, %arg4: memref<32x125x80xi32, #tpu.memory_space<hbm>>, %arg5: memref<10000x128xf32, #tpu.memory_space<hbm>>, %arg6: memref<20000x128xf32, #tpu.memory_space<hbm>>, %arg7: memref<20000x128xf32, #tpu.memory_space<hbm>>, %arg8: memref<10000xi32, #tpu.memory_space<vmem>>, %arg9: memref<125x80xi32, #tpu.memory_space<vmem>>, %arg10: memref<80x128xf32, #tpu.memory_space<vmem>>, %arg11: memref<80x128xf32, #tpu.memory_space<vmem>>, %arg12: memref<10000x128xf32, #tpu.memory_space<vmem_shared>>, %arg13: memref<!tpu.dma_semaphore, #tpu.memory_space<semaphore_mem>>, %arg14: memref<!tpu.dma_semaphore, #tpu.memory_space<semaphore_mem>>, %arg15: memref<!tpu.dma_semaphore, #tpu.memory_space<semaphore_mem>>) attributes {dimension_semantics = [#tpu.dimension_semantics<core_parallel>, #tpu.dimension_semantics<subcore_parallel>], iteration_bounds = array<i64: 2, 16>, scalar_prefetch = 0 : i64, scratch_operands = 8 : i64, tpu.core_type = #tpu.core_type<sc_vector_subcore>, window_params = [{transform_indices = #map}, {transform_indices = #map}, {transform_indices = #map1}, {transform_indices = #map}, {transform_indices = #map}, {transform_indices = #map}]} {
    %mul3A = arith.constant 2 : i32
    %mul3A_0 = arith.muli %arg1, %mul3A : i32
    %add3A = arith.addi %mul3A_0, %arg0 : i32
    %dma_start3A = arith.constant 0 : i32
    %dma_start3A_1 = tpu.memref_slice %arg3[%add3A, %dma_start3A] : memref<32x10000xi32, #tpu.memory_space<hbm>> -> memref<1x10000xi32, #tpu.memory_space<hbm>>
    %dma_start3A_2 = tpu.memref_squeeze %dma_start3A_1 : memref<1x10000xi32, #tpu.memory_space<hbm>> -> memref<10000xi32, #tpu.memory_space<hbm>>
    %dma_start3A_3 = arith.constant 0 : i32
    %dma_start3A_4 = tpu.memref_slice %arg3[%add3A, %dma_start3A_3] : memref<32x10000xi32, #tpu.memory_space<hbm>> -> memref<1x10000xi32, #tpu.memory_space<hbm>>
    %dma_start3A_5 = tpu.memref_squeeze %dma_start3A_4 : memref<1x10000xi32, #tpu.memory_space<hbm>> -> memref<10000xi32, #tpu.memory_space<hbm>>
    tpu.enqueue_dma source(%dma_start3A_5 : memref<10000xi32, #tpu.memory_space<hbm>>) target(%arg8 : memref<10000xi32, #tpu.memory_space<vmem>>) target_semaphore(%arg13 : memref<!tpu.dma_semaphore, #tpu.memory_space<semaphore_mem>>)
    %dma_start3A_6 = arith.constant 0 : i32
    %dma_start3A_7 = arith.constant 0 : i32
    %dma_start3A_8 = tpu.memref_slice %arg4[%add3A, %dma_start3A_6, %dma_start3A_7] : memref<32x125x80xi32, #tpu.memory_space<hbm>> -> memref<1x125x80xi32, #tpu.memory_space<hbm>>
    %dma_start3A_9 = tpu.memref_squeeze %dma_start3A_8 : memref<1x125x80xi32, #tpu.memory_space<hbm>> -> memref<125x80xi32, #tpu.memory_space<hbm>>
    %dma_start3A_10 = arith.constant 0 : i32
    %dma_start3A_11 = arith.constant 0 : i32
    %dma_start3A_12 = tpu.memref_slice %arg4[%add3A, %dma_start3A_10, %dma_start3A_11] : memref<32x125x80xi32, #tpu.memory_space<hbm>> -> memref<1x125x80xi32, #tpu.memory_space<hbm>>
    %dma_start3A_13 = tpu.memref_squeeze %dma_start3A_12 : memref<1x125x80xi32, #tpu.memory_space<hbm>> -> memref<125x80xi32, #tpu.memory_space<hbm>>
    tpu.enqueue_dma source(%dma_start3A_13 : memref<125x80xi32, #tpu.memory_space<hbm>>) target(%arg9 : memref<125x80xi32, #tpu.memory_space<vmem>>) target_semaphore(%arg14 : memref<!tpu.dma_semaphore, #tpu.memory_space<semaphore_mem>>)
    %mul3A_14 = arith.constant 624 : i32
    %mul3A_15 = arith.muli %arg1, %mul3A_14 : i32
    "tpu.region"() ({
      %run_scoped3A_87 = tpu.sem_alloc : memref<!tpu.dma_semaphore, #tpu.memory_space<semaphore_mem>>
      %dma_start3A_88 = arith.constant 0 : i32
      %dma_start3A_89 = tpu.memref_slice %arg12[%mul3A_15, %dma_start3A_88] : memref<10000x128xf32, #tpu.memory_space<vmem_shared>> -> memref<624x128xf32, #tpu.memory_space<vmem_shared>>
      %dma_start3A_90 = arith.constant 0 : i32
      %dma_start3A_91 = tpu.memref_slice %arg5[%mul3A_15, %dma_start3A_90] : memref<10000x128xf32, #tpu.memory_space<hbm>> -> memref<624x128xf32, #tpu.memory_space<hbm>>
      tpu.enqueue_dma source(%dma_start3A_91 : memref<624x128xf32, #tpu.memory_space<hbm>>) target(%dma_start3A_89 : memref<624x128xf32, #tpu.memory_space<vmem_shared>>) target_semaphore(%run_scoped3A_87 : memref<!tpu.dma_semaphore, #tpu.memory_space<semaphore_mem>>)
      %dma_wait3A_92 = arith.constant 0 : i32
      %dma_wait3A_93 = tpu.memref_slice %arg12[%mul3A_15, %dma_wait3A_92] : memref<10000x128xf32, #tpu.memory_space<vmem_shared>> -> memref<624x128xf32, #tpu.memory_space<vmem_shared>>
      %dma_wait3A_94 = arith.constant 0 : i32
      %dma_wait3A_95 = tpu.memref_slice %arg5[%mul3A_15, %dma_wait3A_94] : memref<10000x128xf32, #tpu.memory_space<hbm>> -> memref<624x128xf32, #tpu.memory_space<hbm>>
      tpu.wait_dma2 semaphore(%run_scoped3A_87 : memref<!tpu.dma_semaphore, #tpu.memory_space<semaphore_mem>>) src(%dma_wait3A_95 : memref<624x128xf32, #tpu.memory_space<hbm>>) dst(%dma_wait3A_93 : memref<624x128xf32, #tpu.memory_space<vmem_shared>>)
      tpu.yield
    }) : () -> ()
    %eq3A = arith.constant 15 : i32
    %eq3A_16 = arith.cmpi eq, %arg1, %eq3A : i32
    %convert_element_type3A = arith.extui %eq3A_16 : i1 to i32
    %cond3A = arith.constant 0 : i32
    %cond3A_17 = arith.cmpi ne, %convert_element_type3A, %cond3A : i32
    scf.if %cond3A_17 {
      "tpu.region"() ({
        %run_scoped3A_87 = tpu.sem_alloc : memref<!tpu.dma_semaphore, #tpu.memory_space<semaphore_mem>>
        %dma_start3A_88 = arith.constant 9984 : i32
        %dma_start3A_89 = arith.constant 0 : i32
        %dma_start3A_90 = tpu.memref_slice %arg12[%dma_start3A_88, %dma_start3A_89] : memref<10000x128xf32, #tpu.memory_space<vmem_shared>> -> memref<16x128xf32, #tpu.memory_space<vmem_shared>>
        %dma_start3A_91 = arith.constant 9984 : i32
        %dma_start3A_92 = arith.constant 0 : i32
        %dma_start3A_93 = tpu.memref_slice %arg5[%dma_start3A_91, %dma_start3A_92] : memref<10000x128xf32, #tpu.memory_space<hbm>> -> memref<16x128xf32, #tpu.memory_space<hbm>>
        tpu.enqueue_dma source(%dma_start3A_93 : memref<16x128xf32, #tpu.memory_space<hbm>>) target(%dma_start3A_90 : memref<16x128xf32, #tpu.memory_space<vmem_shared>>) target_semaphore(%run_scoped3A_87 : memref<!tpu.dma_semaphore, #tpu.memory_space<semaphore_mem>>)
        %dma_wait3A_94 = arith.constant 9984 : i32
        %dma_wait3A_95 = arith.constant 0 : i32
        %dma_wait3A_96 = tpu.memref_slice %arg12[%dma_wait3A_94, %dma_wait3A_95] : memref<10000x128xf32, #tpu.memory_space<vmem_shared>> -> memref<16x128xf32, #tpu.memory_space<vmem_shared>>
        %dma_wait3A_97 = arith.constant 9984 : i32
        %dma_wait3A_98 = arith.constant 0 : i32
        %dma_wait3A_99 = tpu.memref_slice %arg5[%dma_wait3A_97, %dma_wait3A_98] : memref<10000x128xf32, #tpu.memory_space<hbm>> -> memref<16x128xf32, #tpu.memory_space<hbm>>
        tpu.wait_dma2 semaphore(%run_scoped3A_87 : memref<!tpu.dma_semaphore, #tpu.memory_space<semaphore_mem>>) src(%dma_wait3A_99 : memref<16x128xf32, #tpu.memory_space<hbm>>) dst(%dma_wait3A_96 : memref<16x128xf32, #tpu.memory_space<vmem_shared>>)
        tpu.yield
      }) : () -> ()
    } else {
    }
    %scan3A = arith.constant 0 : i32
    %scan3A_18 = arith.constant 0 : i32
    %scan3A_19 = arith.constant 80 : i32
    %scan3A_20 = arith.addi %scan3A_18, %scan3A_19 : i32
    %scan3A_21 = arith.constant 1 : i32
    scf.for %scan3A_87 = %scan3A_18 to %scan3A_20 step %scan3A_21  : i32 {
      %broadcast_in_dim3A = arith.constant 1.000000e+00 : f32
      %broadcast_in_dim3A_88 = vector.broadcast %broadcast_in_dim3A : f32 to vector<16xf32>
      %swap3A = arith.index_cast %scan3A_87 : i32 to index
      %swap3A_89 = arith.constant 0 : index
      %swap3A_90 = tpu.vector_load %arg10[%swap3A, %swap3A_89] {strides = array<i32>} : memref<80x128xf32, #tpu.memory_space<vmem>>, vector<1x16xf32>,
      %swap3A_91 = vector.shape_cast %swap3A_90 : vector<1x16xf32> to vector<16xf32>
      %swap3A_92 = vector.shape_cast %broadcast_in_dim3A_88 : vector<16xf32> to vector<1x16xf32>
      tpu.vector_store %arg10[%swap3A, %swap3A_89], %swap3A_92 {strides = array<i32>} : memref<80x128xf32, #tpu.memory_space<vmem>>, vector<1x16xf32>,
      %broadcast_in_dim3A_93 = arith.constant 1.000000e+00 : f32
      %broadcast_in_dim3A_94 = vector.broadcast %broadcast_in_dim3A_93 : f32 to vector<16xf32>
      %swap3A_95 = arith.index_cast %scan3A_87 : i32 to index
      %swap3A_96 = arith.constant 16 : index
      %swap3A_97 = tpu.vector_load %arg10[%swap3A_95, %swap3A_96] {strides = array<i32>} : memref<80x128xf32, #tpu.memory_space<vmem>>, vector<1x16xf32>,
      %swap3A_98 = vector.shape_cast %swap3A_97 : vector<1x16xf32> to vector<16xf32>
      %swap3A_99 = vector.shape_cast %broadcast_in_dim3A_94 : vector<16xf32> to vector<1x16xf32>
      tpu.vector_store %arg10[%swap3A_95, %swap3A_96], %swap3A_99 {strides = array<i32>} : memref<80x128xf32, #tpu.memory_space<vmem>>, vector<1x16xf32>,
      %broadcast_in_dim3A_100 = arith.constant 1.000000e+00 : f32
      %broadcast_in_dim3A_101 = vector.broadcast %broadcast_in_dim3A_100 : f32 to vector<16xf32>
      %swap3A_102 = arith.index_cast %scan3A_87 : i32 to index
      %swap3A_103 = arith.constant 32 : index
      %swap3A_104 = tpu.vector_load %arg10[%swap3A_102, %swap3A_103] {strides = array<i32>} : memref<80x128xf32, #tpu.memory_space<vmem>>, vector<1x16xf32>,
      %swap3A_105 = vector.shape_cast %swap3A_104 : vector<1x16xf32> to vector<16xf32>
      %swap3A_106 = vector.shape_cast %broadcast_in_dim3A_101 : vector<16xf32> to vector<1x16xf32>
      tpu.vector_store %arg10[%swap3A_102, %swap3A_103], %swap3A_106 {strides = array<i32>} : memref<80x128xf32, #tpu.memory_space<vmem>>, vector<1x16xf32>,
      %broadcast_in_dim3A_107 = arith.constant 1.000000e+00 : f32
      %broadcast_in_dim3A_108 = vector.broadcast %broadcast_in_dim3A_107 : f32 to vector<16xf32>
      %swap3A_109 = arith.index_cast %scan3A_87 : i32 to index
      %swap3A_110 = arith.constant 48 : index
      %swap3A_111 = tpu.vector_load %arg10[%swap3A_109, %swap3A_110] {strides = array<i32>} : memref<80x128xf32, #tpu.memory_space<vmem>>, vector<1x16xf32>,
      %swap3A_112 = vector.shape_cast %swap3A_111 : vector<1x16xf32> to vector<16xf32>
      %swap3A_113 = vector.shape_cast %broadcast_in_dim3A_108 : vector<16xf32> to vector<1x16xf32>
      tpu.vector_store %arg10[%swap3A_109, %swap3A_110], %swap3A_113 {strides = array<i32>} : memref<80x128xf32, #tpu.memory_space<vmem>>, vector<1x16xf32>,
      %broadcast_in_dim3A_114 = arith.constant 1.000000e+00 : f32
      %broadcast_in_dim3A_115 = vector.broadcast %broadcast_in_dim3A_114 : f32 to vector<16xf32>
      %swap3A_116 = arith.index_cast %scan3A_87 : i32 to index
      %swap3A_117 = arith.constant 64 : index
      %swap3A_118 = tpu.vector_load %arg10[%swap3A_116, %swap3A_117] {strides = array<i32>} : memref<80x128xf32, #tpu.memory_space<vmem>>, vector<1x16xf32>,
      %swap3A_119 = vector.shape_cast %swap3A_118 : vector<1x16xf32> to vector<16xf32>
      %swap3A_120 = vector.shape_cast %broadcast_in_dim3A_115 : vector<16xf32> to vector<1x16xf32>
      tpu.vector_store %arg10[%swap3A_116, %swap3A_117], %swap3A_120 {strides = array<i32>} : memref<80x128xf32, #tpu.memory_space<vmem>>, vector<1x16xf32>,
      %broadcast_in_dim3A_121 = arith.constant 1.000000e+00 : f32
      %broadcast_in_dim3A_122 = vector.broadcast %broadcast_in_dim3A_121 : f32 to vector<16xf32>
      %swap3A_123 = arith.index_cast %scan3A_87 : i32 to index
      %swap3A_124 = arith.constant 80 : index
      %swap3A_125 = tpu.vector_load %arg10[%swap3A_123, %swap3A_124] {strides = array<i32>} : memref<80x128xf32, #tpu.memory_space<vmem>>, vector<1x16xf32>,
      %swap3A_126 = vector.shape_cast %swap3A_125 : vector<1x16xf32> to vector<16xf32>
      %swap3A_127 = vector.shape_cast %broadcast_in_dim3A_122 : vector<16xf32> to vector<1x16xf32>
      tpu.vector_store %arg10[%swap3A_123, %swap3A_124], %swap3A_127 {strides = array<i32>} : memref<80x128xf32, #tpu.memory_space<vmem>>, vector<1x16xf32>,
      %broadcast_in_dim3A_128 = arith.constant 1.000000e+00 : f32
      %broadcast_in_dim3A_129 = vector.broadcast %broadcast_in_dim3A_128 : f32 to vector<16xf32>
      %swap3A_130 = arith.index_cast %scan3A_87 : i32 to index
      %swap3A_131 = arith.constant 96 : index
      %swap3A_132 = tpu.vector_load %arg10[%swap3A_130, %swap3A_131] {strides = array<i32>} : memref<80x128xf32, #tpu.memory_space<vmem>>, vector<1x16xf32>,
      %swap3A_133 = vector.shape_cast %swap3A_132 : vector<1x16xf32> to vector<16xf32>
      %swap3A_134 = vector.shape_cast %broadcast_in_dim3A_129 : vector<16xf32> to vector<1x16xf32>
      tpu.vector_store %arg10[%swap3A_130, %swap3A_131], %swap3A_134 {strides = array<i32>} : memref<80x128xf32, #tpu.memory_space<vmem>>, vector<1x16xf32>,
      %broadcast_in_dim3A_135 = arith.constant 1.000000e+00 : f32
      %broadcast_in_dim3A_136 = vector.broadcast %broadcast_in_dim3A_135 : f32 to vector<16xf32>
      %swap3A_137 = arith.index_cast %scan3A_87 : i32 to index
      %swap3A_138 = arith.constant 112 : index
      %swap3A_139 = tpu.vector_load %arg10[%swap3A_137, %swap3A_138] {strides = array<i32>} : memref<80x128xf32, #tpu.memory_space<vmem>>, vector<1x16xf32>,
      %swap3A_140 = vector.shape_cast %swap3A_139 : vector<1x16xf32> to vector<16xf32>
      %swap3A_141 = vector.shape_cast %broadcast_in_dim3A_136 : vector<16xf32> to vector<1x16xf32>
      tpu.vector_store %arg10[%swap3A_137, %swap3A_138], %swap3A_141 {strides = array<i32>} : memref<80x128xf32, #tpu.memory_space<vmem>>, vector<1x16xf32>,
    }
    %scan3A_22 = arith.constant 80 : i32
    %dma_wait3A = arith.constant 0 : i32
    %dma_wait3A_23 = tpu.memref_slice %arg3[%add3A, %dma_wait3A] : memref<32x10000xi32, #tpu.memory_space<hbm>> -> memref<1x10000xi32, #tpu.memory_space<hbm>>
    %dma_wait3A_24 = tpu.memref_squeeze %dma_wait3A_23 : memref<1x10000xi32, #tpu.memory_space<hbm>> -> memref<10000xi32, #tpu.memory_space<hbm>>
    %dma_wait3A_25 = arith.constant 0 : i32
    %dma_wait3A_26 = tpu.memref_slice %arg3[%add3A, %dma_wait3A_25] : memref<32x10000xi32, #tpu.memory_space<hbm>> -> memref<1x10000xi32, #tpu.memory_space<hbm>>
    %dma_wait3A_27 = tpu.memref_squeeze %dma_wait3A_26 : memref<1x10000xi32, #tpu.memory_space<hbm>> -> memref<10000xi32, #tpu.memory_space<hbm>>
    tpu.wait_dma2 semaphore(%arg13 : memref<!tpu.dma_semaphore, #tpu.memory_space<semaphore_mem>>) src(%dma_wait3A_27 : memref<10000xi32, #tpu.memory_space<hbm>>) dst(%arg8 : memref<10000xi32, #tpu.memory_space<vmem>>)
    %dma_wait3A_28 = arith.constant 0 : i32
    %dma_wait3A_29 = arith.constant 0 : i32
    %dma_wait3A_30 = tpu.memref_slice %arg4[%add3A, %dma_wait3A_28, %dma_wait3A_29] : memref<32x125x80xi32, #tpu.memory_space<hbm>> -> memref<1x125x80xi32, #tpu.memory_space<hbm>>
    %dma_wait3A_31 = tpu.memref_squeeze %dma_wait3A_30 : memref<1x125x80xi32, #tpu.memory_space<hbm>> -> memref<125x80xi32, #tpu.memory_space<hbm>>
    %dma_wait3A_32 = arith.constant 0 : i32
    %dma_wait3A_33 = arith.constant 0 : i32
    %dma_wait3A_34 = tpu.memref_slice %arg4[%add3A, %dma_wait3A_32, %dma_wait3A_33] : memref<32x125x80xi32, #tpu.memory_space<hbm>> -> memref<1x125x80xi32, #tpu.memory_space<hbm>>
    %dma_wait3A_35 = tpu.memref_squeeze %dma_wait3A_34 : memref<1x125x80xi32, #tpu.memory_space<hbm>> -> memref<125x80xi32, #tpu.memory_space<hbm>>
    tpu.wait_dma2 semaphore(%arg14 : memref<!tpu.dma_semaphore, #tpu.memory_space<semaphore_mem>>) src(%dma_wait3A_35 : memref<125x80xi32, #tpu.memory_space<hbm>>) dst(%arg9 : memref<125x80xi32, #tpu.memory_space<vmem>>)
    %barrier3A = arith.constant 0 : index
    tpu.barrier barrier_id(%barrier3A)
    %scan3A_36 = arith.constant 0 : i32
    %scan3A_37 = arith.constant 0 : i32
    %scan3A_38 = arith.constant 125 : i32
    %scan3A_39 = arith.addi %scan3A_37, %scan3A_38 : i32
    %scan3A_40 = arith.constant 1 : i32
    scf.for %scan3A_87 = %scan3A_37 to %scan3A_39 step %scan3A_40  : i32 {
      %dma_start3A_88 = arith.constant 0 : i32
      %dma_start3A_89 = tpu.memref_slice %arg9[%scan3A_87, %dma_start3A_88] : memref<125x80xi32, #tpu.memory_space<vmem>> -> memref<1x80xi32, #tpu.memory_space<vmem>>
      %dma_start3A_90 = tpu.memref_squeeze %dma_start3A_89 : memref<1x80xi32, #tpu.memory_space<vmem>> -> memref<80xi32, #tpu.memory_space<vmem>>
      %dma_start3A_91 = arith.constant 0 : i32
      %dma_start3A_92 = arith.constant 0 : i32
      %dma_start3A_93 = tpu.memref_slice %arg12[%dma_start3A_91, %dma_start3A_92] : memref<10000x128xf32, #tpu.memory_space<vmem_shared>> -> memref<10000x128xf32, #tpu.memory_space<vmem_shared>>
      tpu.enqueue_indirect_dma source(%arg10 : memref<80x128xf32, #tpu.memory_space<vmem>>) target(%dma_start3A_93 : memref<10000x128xf32, #tpu.memory_space<vmem_shared>>) offsets(%dma_start3A_90 : memref<80xi32, #tpu.memory_space<vmem>>) semaphore(%arg15 : memref<!tpu.dma_semaphore, #tpu.memory_space<semaphore_mem>>) {add = true}
      %ge3A = arith.constant 64 : i32
      %ge3A_94 = arith.cmpi sge, %scan3A_87, %ge3A : i32
      %convert_element_type3A_95 = arith.extui %ge3A_94 : i1 to i32
      %cond3A_96 = arith.constant 0 : i32
      %cond3A_97 = arith.cmpi ne, %convert_element_type3A_95, %cond3A_96 : i32
      scf.if %cond3A_97 {
        %dma_wait3A_98 = arith.constant 0 : i32
        %dma_wait3A_99 = arith.constant 0 : i32
        %dma_wait3A_100 = tpu.memref_slice %arg9[%dma_wait3A_98, %dma_wait3A_99] : memref<125x80xi32, #tpu.memory_space<vmem>> -> memref<1x80xi32, #tpu.memory_space<vmem>>
        %dma_wait3A_101 = tpu.memref_squeeze %dma_wait3A_100 : memref<1x80xi32, #tpu.memory_space<vmem>> -> memref<80xi32, #tpu.memory_space<vmem>>
        %dma_wait3A_102 = arith.constant 0 : i32
        %dma_wait3A_103 = arith.constant 0 : i32
        %dma_wait3A_104 = tpu.memref_slice %arg12[%dma_wait3A_102, %dma_wait3A_103] : memref<10000x128xf32, #tpu.memory_space<vmem_shared>> -> memref<10000x128xf32, #tpu.memory_space<vmem_shared>>
        tpu.wait_indirect_dma semaphore(%arg15 : memref<!tpu.dma_semaphore, #tpu.memory_space<semaphore_mem>>) src(%arg10 : memref<80x128xf32, #tpu.memory_space<vmem>>) dst(%dma_wait3A_104 : memref<10000x128xf32, #tpu.memory_space<vmem_shared>>)
      } else {
      }
    }
    %scan3A_41 = arith.constant 125 : i32
    %scan3A_42 = arith.constant 0 : i32
    %scan3A_43 = arith.constant 0 : i32
    %scan3A_44 = arith.constant 64 : i32
    %scan3A_45 = arith.addi %scan3A_43, %scan3A_44 : i32
    %scan3A_46 = arith.constant 1 : i32
    scf.for %scan3A_87 = %scan3A_43 to %scan3A_45 step %scan3A_46  : i32 {
      %dma_wait3A_88 = arith.constant 0 : i32
      %dma_wait3A_89 = arith.constant 0 : i32
      %dma_wait3A_90 = tpu.memref_slice %arg9[%dma_wait3A_88, %dma_wait3A_89] : memref<125x80xi32, #tpu.memory_space<vmem>> -> memref<1x80xi32, #tpu.memory_space<vmem>>
      %dma_wait3A_91 = tpu.memref_squeeze %dma_wait3A_90 : memref<1x80xi32, #tpu.memory_space<vmem>> -> memref<80xi32, #tpu.memory_space<vmem>>
      %dma_wait3A_92 = arith.constant 0 : i32
      %dma_wait3A_93 = arith.constant 0 : i32
      %dma_wait3A_94 = tpu.memref_slice %arg12[%dma_wait3A_92, %dma_wait3A_93] : memref<10000x128xf32, #tpu.memory_space<vmem_shared>> -> memref<10000x128xf32, #tpu.memory_space<vmem_shared>>
      tpu.wait_indirect_dma semaphore(%arg15 : memref<!tpu.dma_semaphore, #tpu.memory_space<semaphore_mem>>) src(%arg10 : memref<80x128xf32, #tpu.memory_space<vmem>>) dst(%dma_wait3A_94 : memref<10000x128xf32, #tpu.memory_space<vmem_shared>>)
    }
    %scan3A_47 = arith.constant 64 : i32
    %dma_start3A_48 = arith.constant 0 : i32
    %dma_start3A_49 = tpu.memref_slice %arg8[%dma_start3A_48] : memref<10000xi32, #tpu.memory_space<vmem>> -> memref<80xi32, #tpu.memory_space<vmem>>
    %dma_start3A_50 = arith.constant 0 : i32
    %dma_start3A_51 = arith.constant 0 : i32
    %dma_start3A_52 = tpu.memref_slice %arg2[%dma_start3A_50, %dma_start3A_51] : memref<10000x128xf32, #tpu.memory_space<hbm>> -> memref<10000x128xf32, #tpu.memory_space<hbm>>
    tpu.enqueue_indirect_dma source(%dma_start3A_52 : memref<10000x128xf32, #tpu.memory_space<hbm>>) target(%arg10 : memref<80x128xf32, #tpu.memory_space<vmem>>) offsets(%dma_start3A_49 : memref<80xi32, #tpu.memory_space<vmem>>) semaphore(%arg13 : memref<!tpu.dma_semaphore, #tpu.memory_space<semaphore_mem>>)
    %barrier3A_53 = arith.constant 0 : index
    tpu.barrier barrier_id(%barrier3A_53)
    %mul3A_54 = arith.constant 624 : i32
    %mul3A_55 = arith.muli %arg1, %mul3A_54 : i32
    %mul3A_56 = arith.constant 10000 : i32
    %mul3A_57 = arith.muli %arg0, %mul3A_56 : i32
    %add3A_58 = arith.addi %mul3A_57, %mul3A_55 : i32
    "tpu.region"() ({
      %run_scoped3A_87 = tpu.sem_alloc : memref<!tpu.dma_semaphore, #tpu.memory_space<semaphore_mem>>
      %dma_start3A_88 = arith.constant 0 : i32
      %dma_start3A_89 = tpu.memref_slice %arg7[%add3A_58, %dma_start3A_88] : memref<20000x128xf32, #tpu.memory_space<hbm>> -> memref<624x128xf32, #tpu.memory_space<hbm>>
      %dma_start3A_90 = arith.constant 0 : i32
      %dma_start3A_91 = tpu.memref_slice %arg12[%mul3A_55, %dma_start3A_90] : memref<10000x128xf32, #tpu.memory_space<vmem_shared>> -> memref<624x128xf32, #tpu.memory_space<vmem_shared>>
      tpu.enqueue_dma source(%dma_start3A_91 : memref<624x128xf32, #tpu.memory_space<vmem_shared>>) target(%dma_start3A_89 : memref<624x128xf32, #tpu.memory_space<hbm>>) target_semaphore(%run_scoped3A_87 : memref<!tpu.dma_semaphore, #tpu.memory_space<semaphore_mem>>)
      %dma_wait3A_92 = arith.constant 0 : i32
      %dma_wait3A_93 = tpu.memref_slice %arg7[%add3A_58, %dma_wait3A_92] : memref<20000x128xf32, #tpu.memory_space<hbm>> -> memref<624x128xf32, #tpu.memory_space<hbm>>
      %dma_wait3A_94 = arith.constant 0 : i32
      %dma_wait3A_95 = tpu.memref_slice %arg12[%mul3A_55, %dma_wait3A_94] : memref<10000x128xf32, #tpu.memory_space<vmem_shared>> -> memref<624x128xf32, #tpu.memory_space<vmem_shared>>
      tpu.wait_dma2 semaphore(%run_scoped3A_87 : memref<!tpu.dma_semaphore, #tpu.memory_space<semaphore_mem>>) src(%dma_wait3A_95 : memref<624x128xf32, #tpu.memory_space<vmem_shared>>) dst(%dma_wait3A_93 : memref<624x128xf32, #tpu.memory_space<hbm>>)
      tpu.yield
    }) : () -> ()
    %eq3A_59 = arith.constant 15 : i32
    %eq3A_60 = arith.cmpi eq, %arg1, %eq3A_59 : i32
    %convert_element_type3A_61 = arith.extui %eq3A_60 : i1 to i32
    %cond3A_62 = arith.constant 0 : i32
    %cond3A_63 = arith.cmpi ne, %convert_element_type3A_61, %cond3A_62 : i32
    scf.if %cond3A_63 {
      %mul3A_87 = arith.constant 10000 : i32
      %mul3A_88 = arith.muli %arg0, %mul3A_87 : i32
      %add3A_89 = arith.constant 9984 : i32
      %add3A_90 = arith.addi %mul3A_88, %add3A_89 : i32
      "tpu.region"() ({
        %run_scoped3A_91 = tpu.sem_alloc : memref<!tpu.dma_semaphore, #tpu.memory_space<semaphore_mem>>
        %dma_start3A_92 = arith.constant 0 : i32
        %dma_start3A_93 = tpu.memref_slice %arg7[%add3A_90, %dma_start3A_92] : memref<20000x128xf32, #tpu.memory_space<hbm>> -> memref<16x128xf32, #tpu.memory_space<hbm>>
        %dma_start3A_94 = arith.constant 9984 : i32
        %dma_start3A_95 = arith.constant 0 : i32
        %dma_start3A_96 = tpu.memref_slice %arg12[%dma_start3A_94, %dma_start3A_95] : memref<10000x128xf32, #tpu.memory_space<vmem_shared>> -> memref<16x128xf32, #tpu.memory_space<vmem_shared>>
        tpu.enqueue_dma source(%dma_start3A_96 : memref<16x128xf32, #tpu.memory_space<vmem_shared>>) target(%dma_start3A_93 : memref<16x128xf32, #tpu.memory_space<hbm>>) target_semaphore(%run_scoped3A_91 : memref<!tpu.dma_semaphore, #tpu.memory_space<semaphore_mem>>)
        %dma_wait3A_97 = arith.constant 0 : i32
        %dma_wait3A_98 = tpu.memref_slice %arg7[%add3A_90, %dma_wait3A_97] : memref<20000x128xf32, #tpu.memory_space<hbm>> -> memref<16x128xf32, #tpu.memory_space<hbm>>
        %dma_wait3A_99 = arith.constant 9984 : i32
        %dma_wait3A_100 = arith.constant 0 : i32
        %dma_wait3A_101 = tpu.memref_slice %arg12[%dma_wait3A_99, %dma_wait3A_100] : memref<10000x128xf32, #tpu.memory_space<vmem_shared>> -> memref<16x128xf32, #tpu.memory_space<vmem_shared>>
        tpu.wait_dma2 semaphore(%run_scoped3A_91 : memref<!tpu.dma_semaphore, #tpu.memory_space<semaphore_mem>>) src(%dma_wait3A_101 : memref<16x128xf32, #tpu.memory_space<vmem_shared>>) dst(%dma_wait3A_98 : memref<16x128xf32, #tpu.memory_space<hbm>>)
        tpu.yield
      }) : () -> ()
    } else {
    }
    %barrier3A_64 = arith.constant 0 : index
    tpu.barrier barrier_id(%barrier3A_64)
    %scan3A_65 = arith.constant 0 : i32
    %scan3A_66 = arith.constant 0 : i32
    %scan3A_67 = arith.constant 62 : i32
    %scan3A_68 = arith.addi %scan3A_66, %scan3A_67 : i32
    %scan3A_69 = arith.constant 1 : i32
    scf.for %scan3A_87 = %scan3A_66 to %scan3A_68 step %scan3A_69  : i32 {
      %mul3A_88 = arith.constant 2 : i32
      %mul3A_89 = arith.muli %mul3A_88, %scan3A_87 : i32
      %add3A_90 = arith.constant 1 : i32
      %add3A_91 = arith.addi %mul3A_89, %add3A_90 : i32
      %lt3A = arith.constant 125 : i32
      %lt3A_92 = arith.cmpi slt, %add3A_91, %lt3A : i32
      %convert_element_type3A_93 = arith.extui %lt3A_92 : i1 to i32
      %cond3A_94 = arith.constant 0 : i32
      %cond3A_95 = arith.cmpi ne, %convert_element_type3A_93, %cond3A_94 : i32
      scf.if %cond3A_95 {
        %add3A_117 = arith.constant 1 : i32
        %add3A_118 = arith.addi %mul3A_89, %add3A_117 : i32
        %mul3A_119 = arith.constant 80 : i32
        %mul3A_120 = arith.muli %add3A_118, %mul3A_119 : i32
        %dma_start3A_121 = tpu.memref_slice %arg8[%mul3A_120] : memref<10000xi32, #tpu.memory_space<vmem>> -> memref<80xi32, #tpu.memory_space<vmem>>
        %dma_start3A_122 = arith.constant 0 : i32
        %dma_start3A_123 = arith.constant 0 : i32
        %dma_start3A_124 = tpu.memref_slice %arg2[%dma_start3A_122, %dma_start3A_123] : memref<10000x128xf32, #tpu.memory_space<hbm>> -> memref<10000x128xf32, #tpu.memory_space<hbm>>
        tpu.enqueue_indirect_dma source(%dma_start3A_124 : memref<10000x128xf32, #tpu.memory_space<hbm>>) target(%arg11 : memref<80x128xf32, #tpu.memory_space<vmem>>) offsets(%dma_start3A_121 : memref<80xi32, #tpu.memory_space<vmem>>) semaphore(%arg14 : memref<!tpu.dma_semaphore, #tpu.memory_space<semaphore_mem>>)
      } else {
      }
      %mul3A_96 = arith.constant 80 : i32
      %mul3A_97 = arith.muli %mul3A_89, %mul3A_96 : i32
      %dma_wait3A_98 = tpu.memref_slice %arg8[%mul3A_97] : memref<10000xi32, #tpu.memory_space<vmem>> -> memref<80xi32, #tpu.memory_space<vmem>>
      %dma_wait3A_99 = arith.constant 0 : i32
      %dma_wait3A_100 = arith.constant 0 : i32
      %dma_wait3A_101 = tpu.memref_slice %arg2[%dma_wait3A_99, %dma_wait3A_100] : memref<10000x128xf32, #tpu.memory_space<hbm>> -> memref<10000x128xf32, #tpu.memory_space<hbm>>
      tpu.wait_indirect_dma semaphore(%arg13 : memref<!tpu.dma_semaphore, #tpu.memory_space<semaphore_mem>>) src(%dma_wait3A_101 : memref<10000x128xf32, #tpu.memory_space<hbm>>) dst(%arg10 : memref<80x128xf32, #tpu.memory_space<vmem>>)
      "tpu.region"() ({
        %run_scoped3A_117 = tpu.sem_alloc : memref<!tpu.dma_semaphore, #tpu.memory_space<semaphore_mem>>
        %dma_start3A_118 = arith.constant 0 : i32
        %dma_start3A_119 = tpu.memref_slice %arg9[%mul3A_89, %dma_start3A_118] : memref<125x80xi32, #tpu.memory_space<vmem>> -> memref<1x80xi32, #tpu.memory_space<vmem>>
        %dma_start3A_120 = tpu.memref_squeeze %dma_start3A_119 : memref<1x80xi32, #tpu.memory_space<vmem>> -> memref<80xi32, #tpu.memory_space<vmem>>
        %dma_start3A_121 = arith.constant 0 : i32
        %dma_start3A_122 = arith.constant 0 : i32
        %dma_start3A_123 = tpu.memref_slice %arg12[%dma_start3A_121, %dma_start3A_122] : memref<10000x128xf32, #tpu.memory_space<vmem_shared>> -> memref<10000x128xf32, #tpu.memory_space<vmem_shared>>
        tpu.enqueue_indirect_dma source(%arg10 : memref<80x128xf32, #tpu.memory_space<vmem>>) target(%dma_start3A_123 : memref<10000x128xf32, #tpu.memory_space<vmem_shared>>) offsets(%dma_start3A_120 : memref<80xi32, #tpu.memory_space<vmem>>) semaphore(%run_scoped3A_117 : memref<!tpu.dma_semaphore, #tpu.memory_space<semaphore_mem>>) {add = true}
        %dma_wait3A_124 = arith.constant 0 : i32
        %dma_wait3A_125 = tpu.memref_slice %arg9[%mul3A_89, %dma_wait3A_124] : memref<125x80xi32, #tpu.memory_space<vmem>> -> memref<1x80xi32, #tpu.memory_space<vmem>>
        %dma_wait3A_126 = tpu.memref_squeeze %dma_wait3A_125 : memref<1x80xi32, #tpu.memory_space<vmem>> -> memref<80xi32, #tpu.memory_space<vmem>>
        %dma_wait3A_127 = arith.constant 0 : i32
        %dma_wait3A_128 = arith.constant 0 : i32
        %dma_wait3A_129 = tpu.memref_slice %arg12[%dma_wait3A_127, %dma_wait3A_128] : memref<10000x128xf32, #tpu.memory_space<vmem_shared>> -> memref<10000x128xf32, #tpu.memory_space<vmem_shared>>
        tpu.wait_indirect_dma semaphore(%run_scoped3A_117 : memref<!tpu.dma_semaphore, #tpu.memory_space<semaphore_mem>>) src(%arg10 : memref<80x128xf32, #tpu.memory_space<vmem>>) dst(%dma_wait3A_129 : memref<10000x128xf32, #tpu.memory_space<vmem_shared>>)
        tpu.yield
      }) : () -> ()
      %add3A_102 = arith.constant 1 : i32
      %add3A_103 = arith.addi %mul3A_89, %add3A_102 : i32
      %add3A_104 = arith.constant 1 : i32
      %add3A_105 = arith.addi %add3A_103, %add3A_104 : i32
      %lt3A_106 = arith.constant 125 : i32
      %lt3A_107 = arith.cmpi slt, %add3A_105, %lt3A_106 : i32
      %convert_element_type3A_108 = arith.extui %lt3A_107 : i1 to i32
      %cond3A_109 = arith.constant 0 : i32
      %cond3A_110 = arith.cmpi ne, %convert_element_type3A_108, %cond3A_109 : i32
      scf.if %cond3A_110 {
        %add3A_117 = arith.constant 1 : i32
        %add3A_118 = arith.addi %add3A_103, %add3A_117 : i32
        %mul3A_119 = arith.constant 80 : i32
        %mul3A_120 = arith.muli %add3A_118, %mul3A_119 : i32
        %dma_start3A_121 = tpu.memref_slice %arg8[%mul3A_120] : memref<10000xi32, #tpu.memory_space<vmem>> -> memref<80xi32, #tpu.memory_space<vmem>>
        %dma_start3A_122 = arith.constant 0 : i32
        %dma_start3A_123 = arith.constant 0 : i32
        %dma_start3A_124 = tpu.memref_slice %arg2[%dma_start3A_122, %dma_start3A_123] : memref<10000x128xf32, #tpu.memory_space<hbm>> -> memref<10000x128xf32, #tpu.memory_space<hbm>>
        tpu.enqueue_indirect_dma source(%dma_start3A_124 : memref<10000x128xf32, #tpu.memory_space<hbm>>) target(%arg10 : memref<80x128xf32, #tpu.memory_space<vmem>>) offsets(%dma_start3A_121 : memref<80xi32, #tpu.memory_space<vmem>>) semaphore(%arg13 : memref<!tpu.dma_semaphore, #tpu.memory_space<semaphore_mem>>)
      } else {
      }
      %mul3A_111 = arith.constant 80 : i32
      %mul3A_112 = arith.muli %add3A_103, %mul3A_111 : i32
      %dma_wait3A_113 = tpu.memref_slice %arg8[%mul3A_112] : memref<10000xi32, #tpu.memory_space<vmem>> -> memref<80xi32, #tpu.memory_space<vmem>>
      %dma_wait3A_114 = arith.constant 0 : i32
      %dma_wait3A_115 = arith.constant 0 : i32
      %dma_wait3A_116 = tpu.memref_slice %arg2[%dma_wait3A_114, %dma_wait3A_115] : memref<10000x128xf32, #tpu.memory_space<hbm>> -> memref<10000x128xf32, #tpu.memory_space<hbm>>
      tpu.wait_indirect_dma semaphore(%arg14 : memref<!tpu.dma_semaphore, #tpu.memory_space<semaphore_mem>>) src(%dma_wait3A_116 : memref<10000x128xf32, #tpu.memory_space<hbm>>) dst(%arg11 : memref<80x128xf32, #tpu.memory_space<vmem>>)
      "tpu.region"() ({
        %run_scoped3A_117 = tpu.sem_alloc : memref<!tpu.dma_semaphore, #tpu.memory_space<semaphore_mem>>
        %dma_start3A_118 = arith.constant 0 : i32
        %dma_start3A_119 = tpu.memref_slice %arg9[%add3A_103, %dma_start3A_118] : memref<125x80xi32, #tpu.memory_space<vmem>> -> memref<1x80xi32, #tpu.memory_space<vmem>>
        %dma_start3A_120 = tpu.memref_squeeze %dma_start3A_119 : memref<1x80xi32, #tpu.memory_space<vmem>> -> memref<80xi32, #tpu.memory_space<vmem>>
        %dma_start3A_121 = arith.constant 0 : i32
        %dma_start3A_122 = arith.constant 0 : i32
        %dma_start3A_123 = tpu.memref_slice %arg12[%dma_start3A_121, %dma_start3A_122] : memref<10000x128xf32, #tpu.memory_space<vmem_shared>> -> memref<10000x128xf32, #tpu.memory_space<vmem_shared>>
        tpu.enqueue_indirect_dma source(%arg11 : memref<80x128xf32, #tpu.memory_space<vmem>>) target(%dma_start3A_123 : memref<10000x128xf32, #tpu.memory_space<vmem_shared>>) offsets(%dma_start3A_120 : memref<80xi32, #tpu.memory_space<vmem>>) semaphore(%run_scoped3A_117 : memref<!tpu.dma_semaphore, #tpu.memory_space<semaphore_mem>>) {add = true}
        %dma_wait3A_124 = arith.constant 0 : i32
        %dma_wait3A_125 = tpu.memref_slice %arg9[%add3A_103, %dma_wait3A_124] : memref<125x80xi32, #tpu.memory_space<vmem>> -> memref<1x80xi32, #tpu.memory_space<vmem>>
        %dma_wait3A_126 = tpu.memref_squeeze %dma_wait3A_125 : memref<1x80xi32, #tpu.memory_space<vmem>> -> memref<80xi32, #tpu.memory_space<vmem>>
        %dma_wait3A_127 = arith.constant 0 : i32
        %dma_wait3A_128 = arith.constant 0 : i32
        %dma_wait3A_129 = tpu.memref_slice %arg12[%dma_wait3A_127, %dma_wait3A_128] : memref<10000x128xf32, #tpu.memory_space<vmem_shared>> -> memref<10000x128xf32, #tpu.memory_space<vmem_shared>>
        tpu.wait_indirect_dma semaphore(%run_scoped3A_117 : memref<!tpu.dma_semaphore, #tpu.memory_space<semaphore_mem>>) src(%arg11 : memref<80x128xf32, #tpu.memory_space<vmem>>) dst(%dma_wait3A_129 : memref<10000x128xf32, #tpu.memory_space<vmem_shared>>)
        tpu.yield
      }) : () -> ()
    }
    %scan3A_70 = arith.constant 62 : i32
    %dma_wait3A_71 = arith.constant 9920 : i32
    %dma_wait3A_72 = tpu.memref_slice %arg8[%dma_wait3A_71] : memref<10000xi32, #tpu.memory_space<vmem>> -> memref<80xi32, #tpu.memory_space<vmem>>
    %dma_wait3A_73 = arith.constant 0 : i32
    %dma_wait3A_74 = arith.constant 0 : i32
    %dma_wait3A_75 = tpu.memref_slice %arg2[%dma_wait3A_73, %dma_wait3A_74] : memref<10000x128xf32, #tpu.memory_space<hbm>> -> memref<10000x128xf32, #tpu.memory_space<hbm>>
    tpu.wait_indirect_dma semaphore(%arg13 : memref<!tpu.dma_semaphore, #tpu.memory_space<semaphore_mem>>) src(%dma_wait3A_75 : memref<10000x128xf32, #tpu.memory_space<hbm>>) dst(%arg10 : memref<80x128xf32, #tpu.memory_space<vmem>>)
    %run_scoped3A = arith.constant 124 : i32
    "tpu.region"() ({
      %run_scoped3A_87 = tpu.sem_alloc : memref<!tpu.dma_semaphore, #tpu.memory_space<semaphore_mem>>
      %dma_start3A_88 = arith.constant 0 : i32
      %dma_start3A_89 = tpu.memref_slice %arg9[%run_scoped3A, %dma_start3A_88] : memref<125x80xi32, #tpu.memory_space<vmem>> -> memref<1x80xi32, #tpu.memory_space<vmem>>
      %dma_start3A_90 = tpu.memref_squeeze %dma_start3A_89 : memref<1x80xi32, #tpu.memory_space<vmem>> -> memref<80xi32, #tpu.memory_space<vmem>>
      %dma_start3A_91 = arith.constant 0 : i32
      %dma_start3A_92 = arith.constant 0 : i32
      %dma_start3A_93 = tpu.memref_slice %arg12[%dma_start3A_91, %dma_start3A_92] : memref<10000x128xf32, #tpu.memory_space<vmem_shared>> -> memref<10000x128xf32, #tpu.memory_space<vmem_shared>>
      tpu.enqueue_indirect_dma source(%arg10 : memref<80x128xf32, #tpu.memory_space<vmem>>) target(%dma_start3A_93 : memref<10000x128xf32, #tpu.memory_space<vmem_shared>>) offsets(%dma_start3A_90 : memref<80xi32, #tpu.memory_space<vmem>>) semaphore(%run_scoped3A_87 : memref<!tpu.dma_semaphore, #tpu.memory_space<semaphore_mem>>) {add = true}
      %dma_wait3A_94 = arith.constant 0 : i32
      %dma_wait3A_95 = tpu.memref_slice %arg9[%run_scoped3A, %dma_wait3A_94] : memref<125x80xi32, #tpu.memory_space<vmem>> -> memref<1x80xi32, #tpu.memory_space<vmem>>
      %dma_wait3A_96 = tpu.memref_squeeze %dma_wait3A_95 : memref<1x80xi32, #tpu.memory_space<vmem>> -> memref<80xi32, #tpu.memory_space<vmem>>
      %dma_wait3A_97 = arith.constant 0 : i32
      %dma_wait3A_98 = arith.constant 0 : i32
      %dma_wait3A_99 = tpu.memref_slice %arg12[%dma_wait3A_97, %dma_wait3A_98] : memref<10000x128xf32, #tpu.memory_space<vmem_shared>> -> memref<10000x128xf32, #tpu.memory_space<vmem_shared>>
      tpu.wait_indirect_dma semaphore(%run_scoped3A_87 : memref<!tpu.dma_semaphore, #tpu.memory_space<semaphore_mem>>) src(%arg10 : memref<80x128xf32, #tpu.memory_space<vmem>>) dst(%dma_wait3A_99 : memref<10000x128xf32, #tpu.memory_space<vmem_shared>>)
      tpu.yield
    }) : () -> ()
    %barrier3A_76 = arith.constant 0 : index
    tpu.barrier barrier_id(%barrier3A_76)
    %mul3A_77 = arith.constant 624 : i32
    %mul3A_78 = arith.muli %arg1, %mul3A_77 : i32
    %mul3A_79 = arith.constant 10000 : i32
    %mul3A_80 = arith.muli %arg0, %mul3A_79 : i32
    %add3A_81 = arith.addi %mul3A_80, %mul3A_78 : i32
    "tpu.region"() ({
      %run_scoped3A_87 = tpu.sem_alloc : memref<!tpu.dma_semaphore, #tpu.memory_space<semaphore_mem>>
      %dma_start3A_88 = arith.constant 0 : i32
      %dma_start3A_89 = tpu.memref_slice %arg6[%add3A_81, %dma_start3A_88] : memref<20000x128xf32, #tpu.memory_space<hbm>> -> memref<624x128xf32, #tpu.memory_space<hbm>>
      %dma_start3A_90 = arith.constant 0 : i32
      %dma_start3A_91 = tpu.memref_slice %arg12[%mul3A_78, %dma_start3A_90] : memref<10000x128xf32, #tpu.memory_space<vmem_shared>> -> memref<624x128xf32, #tpu.memory_space<vmem_shared>>
      tpu.enqueue_dma source(%dma_start3A_91 : memref<624x128xf32, #tpu.memory_space<vmem_shared>>) target(%dma_start3A_89 : memref<624x128xf32, #tpu.memory_space<hbm>>) target_semaphore(%run_scoped3A_87 : memref<!tpu.dma_semaphore, #tpu.memory_space<semaphore_mem>>)
      %dma_wait3A_92 = arith.constant 0 : i32
      %dma_wait3A_93 = tpu.memref_slice %arg6[%add3A_81, %dma_wait3A_92] : memref<20000x128xf32, #tpu.memory_space<hbm>> -> memref<624x128xf32, #tpu.memory_space<hbm>>
      %dma_wait3A_94 = arith.constant 0 : i32
      %dma_wait3A_95 = tpu.memref_slice %arg12[%mul3A_78, %dma_wait3A_94] : memref<10000x128xf32, #tpu.memory_space<vmem_shared>> -> memref<624x128xf32, #tpu.memory_space<vmem_shared>>
      tpu.wait_dma2 semaphore(%run_scoped3A_87 : memref<!tpu.dma_semaphore, #tpu.memory_space<semaphore_mem>>) src(%dma_wait3A_95 : memref<624x128xf32, #tpu.memory_space<vmem_shared>>) dst(%dma_wait3A_93 : memref<624x128xf32, #tpu.memory_space<hbm>>)
      tpu.yield
    }) : () -> ()
    %eq3A_82 = arith.constant 15 : i32
    %eq3A_83 = arith.cmpi eq, %arg1, %eq3A_82 : i32
    %convert_element_type3A_84 = arith.extui %eq3A_83 : i1 to i32
    %cond3A_85 = arith.constant 0 : i32
    %cond3A_86 = arith.cmpi ne, %convert_element_type3A_84, %cond3A_85 : i32
    scf.if %cond3A_86 {
      %mul3A_87 = arith.constant 10000 : i32
      %mul3A_88 = arith.muli %arg0, %mul3A_87 : i32
      %add3A_89 = arith.constant 9984 : i32
      %add3A_90 = arith.addi %mul3A_88, %add3A_89 : i32
      "tpu.region"() ({
        %run_scoped3A_91 = tpu.sem_alloc : memref<!tpu.dma_semaphore, #tpu.memory_space<semaphore_mem>>
        %dma_start3A_92 = arith.constant 0 : i32
        %dma_start3A_93 = tpu.memref_slice %arg6[%add3A_90, %dma_start3A_92] : memref<20000x128xf32, #tpu.memory_space<hbm>> -> memref<16x128xf32, #tpu.memory_space<hbm>>
        %dma_start3A_94 = arith.constant 9984 : i32
        %dma_start3A_95 = arith.constant 0 : i32
        %dma_start3A_96 = tpu.memref_slice %arg12[%dma_start3A_94, %dma_start3A_95] : memref<10000x128xf32, #tpu.memory_space<vmem_shared>> -> memref<16x128xf32, #tpu.memory_space<vmem_shared>>
        tpu.enqueue_dma source(%dma_start3A_96 : memref<16x128xf32, #tpu.memory_space<vmem_shared>>) target(%dma_start3A_93 : memref<16x128xf32, #tpu.memory_space<hbm>>) target_semaphore(%run_scoped3A_91 : memref<!tpu.dma_semaphore, #tpu.memory_space<semaphore_mem>>)
        %dma_wait3A_97 = arith.constant 0 : i32
        %dma_wait3A_98 = tpu.memref_slice %arg6[%add3A_90, %dma_wait3A_97] : memref<20000x128xf32, #tpu.memory_space<hbm>> -> memref<16x128xf32, #tpu.memory_space<hbm>>
        %dma_wait3A_99 = arith.constant 9984 : i32
        %dma_wait3A_100 = arith.constant 0 : i32
        %dma_wait3A_101 = tpu.memref_slice %arg12[%dma_wait3A_99, %dma_wait3A_100] : memref<10000x128xf32, #tpu.memory_space<vmem_shared>> -> memref<16x128xf32, #tpu.memory_space<vmem_shared>>
        tpu.wait_dma2 semaphore(%run_scoped3A_91 : memref<!tpu.dma_semaphore, #tpu.memory_space<semaphore_mem>>) src(%dma_wait3A_101 : memref<16x128xf32, #tpu.memory_space<vmem_shared>>) dst(%dma_wait3A_98 : memref<16x128xf32, #tpu.memory_space<hbm>>)
        tpu.yield
      }) : () -> ()
    } else {
    }
    return
  }
}

#map = affine_map<(d0, d1) -> (0, 0)>
#map1 = affine_map<(d0, d1) -> (0, 0, 0)>
module attributes {stable_mosaic.version = 14 : i64} {
  func.func @_sc_agg_body(%arg0: i32, %arg1: i32, %arg2: memref<10000x128xf32, #tpu.memory_space<hbm>>, %arg3: memref<32x10000xi32, #tpu.memory_space<hbm>>, %arg4: memref<32x125x80xi32, #tpu.memory_space<hbm>>, %arg5: memref<10000x128xf32, #tpu.memory_space<hbm>>, %arg6: memref<20000x128xf32, #tpu.memory_space<hbm>>, %arg7: memref<10000xi32, #tpu.memory_space<vmem>>, %arg8: memref<125x80xi32, #tpu.memory_space<vmem>>, %arg9: memref<80x128xf32, #tpu.memory_space<vmem>>, %arg10: memref<80x128xf32, #tpu.memory_space<vmem>>, %arg11: memref<10000x128xf32, #tpu.memory_space<vmem_shared>>, %arg12: memref<!tpu.dma_semaphore, #tpu.memory_space<semaphore_mem>>, %arg13: memref<!tpu.dma_semaphore, #tpu.memory_space<semaphore_mem>>) attributes {dimension_semantics = [#tpu.dimension_semantics<core_parallel>, #tpu.dimension_semantics<subcore_parallel>], iteration_bounds = array<i64: 2, 16>, scalar_prefetch = 0 : i64, scratch_operands = 7 : i64, tpu.core_type = #tpu.core_type<sc_vector_subcore>, window_params = [{transform_indices = #map}, {transform_indices = #map}, {transform_indices = #map1}, {transform_indices = #map}, {transform_indices = #map}]} {
    %mul3A = arith.constant 2 : i32
    %mul3A_0 = arith.muli %arg1, %mul3A : i32
    %add3A = arith.addi %mul3A_0, %arg0 : i32
    %dma_start3A = arith.constant 0 : i32
    %dma_start3A_1 = tpu.memref_slice %arg3[%add3A, %dma_start3A] : memref<32x10000xi32, #tpu.memory_space<hbm>> -> memref<1x10000xi32, #tpu.memory_space<hbm>>
    %dma_start3A_2 = tpu.memref_squeeze %dma_start3A_1 : memref<1x10000xi32, #tpu.memory_space<hbm>> -> memref<10000xi32, #tpu.memory_space<hbm>>
    %dma_start3A_3 = arith.constant 0 : i32
    %dma_start3A_4 = tpu.memref_slice %arg3[%add3A, %dma_start3A_3] : memref<32x10000xi32, #tpu.memory_space<hbm>> -> memref<1x10000xi32, #tpu.memory_space<hbm>>
    %dma_start3A_5 = tpu.memref_squeeze %dma_start3A_4 : memref<1x10000xi32, #tpu.memory_space<hbm>> -> memref<10000xi32, #tpu.memory_space<hbm>>
    tpu.enqueue_dma source(%dma_start3A_5 : memref<10000xi32, #tpu.memory_space<hbm>>) target(%arg7 : memref<10000xi32, #tpu.memory_space<vmem>>) target_semaphore(%arg12 : memref<!tpu.dma_semaphore, #tpu.memory_space<semaphore_mem>>)
    %dma_start3A_6 = arith.constant 0 : i32
    %dma_start3A_7 = arith.constant 0 : i32
    %dma_start3A_8 = tpu.memref_slice %arg4[%add3A, %dma_start3A_6, %dma_start3A_7] : memref<32x125x80xi32, #tpu.memory_space<hbm>> -> memref<1x125x80xi32, #tpu.memory_space<hbm>>
    %dma_start3A_9 = tpu.memref_squeeze %dma_start3A_8 : memref<1x125x80xi32, #tpu.memory_space<hbm>> -> memref<125x80xi32, #tpu.memory_space<hbm>>
    %dma_start3A_10 = arith.constant 0 : i32
    %dma_start3A_11 = arith.constant 0 : i32
    %dma_start3A_12 = tpu.memref_slice %arg4[%add3A, %dma_start3A_10, %dma_start3A_11] : memref<32x125x80xi32, #tpu.memory_space<hbm>> -> memref<1x125x80xi32, #tpu.memory_space<hbm>>
    %dma_start3A_13 = tpu.memref_squeeze %dma_start3A_12 : memref<1x125x80xi32, #tpu.memory_space<hbm>> -> memref<125x80xi32, #tpu.memory_space<hbm>>
    tpu.enqueue_dma source(%dma_start3A_13 : memref<125x80xi32, #tpu.memory_space<hbm>>) target(%arg8 : memref<125x80xi32, #tpu.memory_space<vmem>>) target_semaphore(%arg13 : memref<!tpu.dma_semaphore, #tpu.memory_space<semaphore_mem>>)
    %dma_wait3A = arith.constant 0 : i32
    %dma_wait3A_14 = tpu.memref_slice %arg3[%add3A, %dma_wait3A] : memref<32x10000xi32, #tpu.memory_space<hbm>> -> memref<1x10000xi32, #tpu.memory_space<hbm>>
    %dma_wait3A_15 = tpu.memref_squeeze %dma_wait3A_14 : memref<1x10000xi32, #tpu.memory_space<hbm>> -> memref<10000xi32, #tpu.memory_space<hbm>>
    %dma_wait3A_16 = arith.constant 0 : i32
    %dma_wait3A_17 = tpu.memref_slice %arg3[%add3A, %dma_wait3A_16] : memref<32x10000xi32, #tpu.memory_space<hbm>> -> memref<1x10000xi32, #tpu.memory_space<hbm>>
    %dma_wait3A_18 = tpu.memref_squeeze %dma_wait3A_17 : memref<1x10000xi32, #tpu.memory_space<hbm>> -> memref<10000xi32, #tpu.memory_space<hbm>>
    tpu.wait_dma2 semaphore(%arg12 : memref<!tpu.dma_semaphore, #tpu.memory_space<semaphore_mem>>) src(%dma_wait3A_18 : memref<10000xi32, #tpu.memory_space<hbm>>) dst(%arg7 : memref<10000xi32, #tpu.memory_space<vmem>>)
    %dma_start3A_19 = arith.constant 0 : i32
    %dma_start3A_20 = tpu.memref_slice %arg7[%dma_start3A_19] : memref<10000xi32, #tpu.memory_space<vmem>> -> memref<80xi32, #tpu.memory_space<vmem>>
    %dma_start3A_21 = arith.constant 0 : i32
    %dma_start3A_22 = arith.constant 0 : i32
    %dma_start3A_23 = tpu.memref_slice %arg2[%dma_start3A_21, %dma_start3A_22] : memref<10000x128xf32, #tpu.memory_space<hbm>> -> memref<10000x128xf32, #tpu.memory_space<hbm>>
    tpu.enqueue_indirect_dma source(%dma_start3A_23 : memref<10000x128xf32, #tpu.memory_space<hbm>>) target(%arg9 : memref<80x128xf32, #tpu.memory_space<vmem>>) offsets(%dma_start3A_20 : memref<80xi32, #tpu.memory_space<vmem>>) semaphore(%arg12 : memref<!tpu.dma_semaphore, #tpu.memory_space<semaphore_mem>>)
    %mul3A_24 = arith.constant 624 : i32
    %mul3A_25 = arith.muli %arg1, %mul3A_24 : i32
    "tpu.region"() ({
      %run_scoped3A_57 = tpu.sem_alloc : memref<!tpu.dma_semaphore, #tpu.memory_space<semaphore_mem>>
      %dma_start3A_58 = arith.constant 0 : i32
      %dma_start3A_59 = tpu.memref_slice %arg11[%mul3A_25, %dma_start3A_58] : memref<10000x128xf32, #tpu.memory_space<vmem_shared>> -> memref<624x128xf32, #tpu.memory_space<vmem_shared>>
      %dma_start3A_60 = arith.constant 0 : i32
      %dma_start3A_61 = tpu.memref_slice %arg5[%mul3A_25, %dma_start3A_60] : memref<10000x128xf32, #tpu.memory_space<hbm>> -> memref<624x128xf32, #tpu.memory_space<hbm>>
      tpu.enqueue_dma source(%dma_start3A_61 : memref<624x128xf32, #tpu.memory_space<hbm>>) target(%dma_start3A_59 : memref<624x128xf32, #tpu.memory_space<vmem_shared>>) target_semaphore(%run_scoped3A_57 : memref<!tpu.dma_semaphore, #tpu.memory_space<semaphore_mem>>)
      %dma_wait3A_62 = arith.constant 0 : i32
      %dma_wait3A_63 = tpu.memref_slice %arg11[%mul3A_25, %dma_wait3A_62] : memref<10000x128xf32, #tpu.memory_space<vmem_shared>> -> memref<624x128xf32, #tpu.memory_space<vmem_shared>>
      %dma_wait3A_64 = arith.constant 0 : i32
      %dma_wait3A_65 = tpu.memref_slice %arg5[%mul3A_25, %dma_wait3A_64] : memref<10000x128xf32, #tpu.memory_space<hbm>> -> memref<624x128xf32, #tpu.memory_space<hbm>>
      tpu.wait_dma2 semaphore(%run_scoped3A_57 : memref<!tpu.dma_semaphore, #tpu.memory_space<semaphore_mem>>) src(%dma_wait3A_65 : memref<624x128xf32, #tpu.memory_space<hbm>>) dst(%dma_wait3A_63 : memref<624x128xf32, #tpu.memory_space<vmem_shared>>)
      tpu.yield
    }) : () -> ()
    %eq3A = arith.constant 15 : i32
    %eq3A_26 = arith.cmpi eq, %arg1, %eq3A : i32
    %convert_element_type3A = arith.extui %eq3A_26 : i1 to i32
    %cond3A = arith.constant 0 : i32
    %cond3A_27 = arith.cmpi ne, %convert_element_type3A, %cond3A : i32
    scf.if %cond3A_27 {
      "tpu.region"() ({
        %run_scoped3A_57 = tpu.sem_alloc : memref<!tpu.dma_semaphore, #tpu.memory_space<semaphore_mem>>
        %dma_start3A_58 = arith.constant 9984 : i32
        %dma_start3A_59 = arith.constant 0 : i32
        %dma_start3A_60 = tpu.memref_slice %arg11[%dma_start3A_58, %dma_start3A_59] : memref<10000x128xf32, #tpu.memory_space<vmem_shared>> -> memref<16x128xf32, #tpu.memory_space<vmem_shared>>
        %dma_start3A_61 = arith.constant 9984 : i32
        %dma_start3A_62 = arith.constant 0 : i32
        %dma_start3A_63 = tpu.memref_slice %arg5[%dma_start3A_61, %dma_start3A_62] : memref<10000x128xf32, #tpu.memory_space<hbm>> -> memref<16x128xf32, #tpu.memory_space<hbm>>
        tpu.enqueue_dma source(%dma_start3A_63 : memref<16x128xf32, #tpu.memory_space<hbm>>) target(%dma_start3A_60 : memref<16x128xf32, #tpu.memory_space<vmem_shared>>) target_semaphore(%run_scoped3A_57 : memref<!tpu.dma_semaphore, #tpu.memory_space<semaphore_mem>>)
        %dma_wait3A_64 = arith.constant 9984 : i32
        %dma_wait3A_65 = arith.constant 0 : i32
        %dma_wait3A_66 = tpu.memref_slice %arg11[%dma_wait3A_64, %dma_wait3A_65] : memref<10000x128xf32, #tpu.memory_space<vmem_shared>> -> memref<16x128xf32, #tpu.memory_space<vmem_shared>>
        %dma_wait3A_67 = arith.constant 9984 : i32
        %dma_wait3A_68 = arith.constant 0 : i32
        %dma_wait3A_69 = tpu.memref_slice %arg5[%dma_wait3A_67, %dma_wait3A_68] : memref<10000x128xf32, #tpu.memory_space<hbm>> -> memref<16x128xf32, #tpu.memory_space<hbm>>
        tpu.wait_dma2 semaphore(%run_scoped3A_57 : memref<!tpu.dma_semaphore, #tpu.memory_space<semaphore_mem>>) src(%dma_wait3A_69 : memref<16x128xf32, #tpu.memory_space<hbm>>) dst(%dma_wait3A_66 : memref<16x128xf32, #tpu.memory_space<vmem_shared>>)
        tpu.yield
      }) : () -> ()
    } else {
    }
    %dma_wait3A_28 = arith.constant 0 : i32
    %dma_wait3A_29 = arith.constant 0 : i32
    %dma_wait3A_30 = tpu.memref_slice %arg4[%add3A, %dma_wait3A_28, %dma_wait3A_29] : memref<32x125x80xi32, #tpu.memory_space<hbm>> -> memref<1x125x80xi32, #tpu.memory_space<hbm>>
    %dma_wait3A_31 = tpu.memref_squeeze %dma_wait3A_30 : memref<1x125x80xi32, #tpu.memory_space<hbm>> -> memref<125x80xi32, #tpu.memory_space<hbm>>
    %dma_wait3A_32 = arith.constant 0 : i32
    %dma_wait3A_33 = arith.constant 0 : i32
    %dma_wait3A_34 = tpu.memref_slice %arg4[%add3A, %dma_wait3A_32, %dma_wait3A_33] : memref<32x125x80xi32, #tpu.memory_space<hbm>> -> memref<1x125x80xi32, #tpu.memory_space<hbm>>
    %dma_wait3A_35 = tpu.memref_squeeze %dma_wait3A_34 : memref<1x125x80xi32, #tpu.memory_space<hbm>> -> memref<125x80xi32, #tpu.memory_space<hbm>>
    tpu.wait_dma2 semaphore(%arg13 : memref<!tpu.dma_semaphore, #tpu.memory_space<semaphore_mem>>) src(%dma_wait3A_35 : memref<125x80xi32, #tpu.memory_space<hbm>>) dst(%arg8 : memref<125x80xi32, #tpu.memory_space<vmem>>)
    %barrier3A = arith.constant 0 : index
    tpu.barrier barrier_id(%barrier3A)
    %scan3A = arith.constant 0 : i32
    %scan3A_36 = arith.constant 0 : i32
    %scan3A_37 = arith.constant 62 : i32
    %scan3A_38 = arith.addi %scan3A_36, %scan3A_37 : i32
    %scan3A_39 = arith.constant 1 : i32
    scf.for %scan3A_57 = %scan3A_36 to %scan3A_38 step %scan3A_39  : i32 {
      %mul3A_58 = arith.constant 2 : i32
      %mul3A_59 = arith.muli %mul3A_58, %scan3A_57 : i32
      %add3A_60 = arith.constant 1 : i32
      %add3A_61 = arith.addi %mul3A_59, %add3A_60 : i32
      %lt3A = arith.constant 125 : i32
      %lt3A_62 = arith.cmpi slt, %add3A_61, %lt3A : i32
      %convert_element_type3A_63 = arith.extui %lt3A_62 : i1 to i32
      %cond3A_64 = arith.constant 0 : i32
      %cond3A_65 = arith.cmpi ne, %convert_element_type3A_63, %cond3A_64 : i32
      scf.if %cond3A_65 {
        %add3A_87 = arith.constant 1 : i32
        %add3A_88 = arith.addi %mul3A_59, %add3A_87 : i32
        %mul3A_89 = arith.constant 80 : i32
        %mul3A_90 = arith.muli %add3A_88, %mul3A_89 : i32
        %dma_start3A_91 = tpu.memref_slice %arg7[%mul3A_90] : memref<10000xi32, #tpu.memory_space<vmem>> -> memref<80xi32, #tpu.memory_space<vmem>>
        %dma_start3A_92 = arith.constant 0 : i32
        %dma_start3A_93 = arith.constant 0 : i32
        %dma_start3A_94 = tpu.memref_slice %arg2[%dma_start3A_92, %dma_start3A_93] : memref<10000x128xf32, #tpu.memory_space<hbm>> -> memref<10000x128xf32, #tpu.memory_space<hbm>>
        tpu.enqueue_indirect_dma source(%dma_start3A_94 : memref<10000x128xf32, #tpu.memory_space<hbm>>) target(%arg10 : memref<80x128xf32, #tpu.memory_space<vmem>>) offsets(%dma_start3A_91 : memref<80xi32, #tpu.memory_space<vmem>>) semaphore(%arg13 : memref<!tpu.dma_semaphore, #tpu.memory_space<semaphore_mem>>)
      } else {
      }
      %mul3A_66 = arith.constant 80 : i32
      %mul3A_67 = arith.muli %mul3A_59, %mul3A_66 : i32
      %dma_wait3A_68 = tpu.memref_slice %arg7[%mul3A_67] : memref<10000xi32, #tpu.memory_space<vmem>> -> memref<80xi32, #tpu.memory_space<vmem>>
      %dma_wait3A_69 = arith.constant 0 : i32
      %dma_wait3A_70 = arith.constant 0 : i32
      %dma_wait3A_71 = tpu.memref_slice %arg2[%dma_wait3A_69, %dma_wait3A_70] : memref<10000x128xf32, #tpu.memory_space<hbm>> -> memref<10000x128xf32, #tpu.memory_space<hbm>>
      tpu.wait_indirect_dma semaphore(%arg12 : memref<!tpu.dma_semaphore, #tpu.memory_space<semaphore_mem>>) src(%dma_wait3A_71 : memref<10000x128xf32, #tpu.memory_space<hbm>>) dst(%arg9 : memref<80x128xf32, #tpu.memory_space<vmem>>)
      "tpu.region"() ({
        %run_scoped3A_87 = tpu.sem_alloc : memref<!tpu.dma_semaphore, #tpu.memory_space<semaphore_mem>>
        %dma_start3A_88 = arith.constant 0 : i32
        %dma_start3A_89 = tpu.memref_slice %arg8[%mul3A_59, %dma_start3A_88] : memref<125x80xi32, #tpu.memory_space<vmem>> -> memref<1x80xi32, #tpu.memory_space<vmem>>
        %dma_start3A_90 = tpu.memref_squeeze %dma_start3A_89 : memref<1x80xi32, #tpu.memory_space<vmem>> -> memref<80xi32, #tpu.memory_space<vmem>>
        %dma_start3A_91 = arith.constant 0 : i32
        %dma_start3A_92 = arith.constant 0 : i32
        %dma_start3A_93 = tpu.memref_slice %arg11[%dma_start3A_91, %dma_start3A_92] : memref<10000x128xf32, #tpu.memory_space<vmem_shared>> -> memref<10000x128xf32, #tpu.memory_space<vmem_shared>>
        tpu.enqueue_indirect_dma source(%arg9 : memref<80x128xf32, #tpu.memory_space<vmem>>) target(%dma_start3A_93 : memref<10000x128xf32, #tpu.memory_space<vmem_shared>>) offsets(%dma_start3A_90 : memref<80xi32, #tpu.memory_space<vmem>>) semaphore(%run_scoped3A_87 : memref<!tpu.dma_semaphore, #tpu.memory_space<semaphore_mem>>) {add = true}
        %dma_wait3A_94 = arith.constant 0 : i32
        %dma_wait3A_95 = tpu.memref_slice %arg8[%mul3A_59, %dma_wait3A_94] : memref<125x80xi32, #tpu.memory_space<vmem>> -> memref<1x80xi32, #tpu.memory_space<vmem>>
        %dma_wait3A_96 = tpu.memref_squeeze %dma_wait3A_95 : memref<1x80xi32, #tpu.memory_space<vmem>> -> memref<80xi32, #tpu.memory_space<vmem>>
        %dma_wait3A_97 = arith.constant 0 : i32
        %dma_wait3A_98 = arith.constant 0 : i32
        %dma_wait3A_99 = tpu.memref_slice %arg11[%dma_wait3A_97, %dma_wait3A_98] : memref<10000x128xf32, #tpu.memory_space<vmem_shared>> -> memref<10000x128xf32, #tpu.memory_space<vmem_shared>>
        tpu.wait_indirect_dma semaphore(%run_scoped3A_87 : memref<!tpu.dma_semaphore, #tpu.memory_space<semaphore_mem>>) src(%arg9 : memref<80x128xf32, #tpu.memory_space<vmem>>) dst(%dma_wait3A_99 : memref<10000x128xf32, #tpu.memory_space<vmem_shared>>)
        tpu.yield
      }) : () -> ()
      %add3A_72 = arith.constant 1 : i32
      %add3A_73 = arith.addi %mul3A_59, %add3A_72 : i32
      %add3A_74 = arith.constant 1 : i32
      %add3A_75 = arith.addi %add3A_73, %add3A_74 : i32
      %lt3A_76 = arith.constant 125 : i32
      %lt3A_77 = arith.cmpi slt, %add3A_75, %lt3A_76 : i32
      %convert_element_type3A_78 = arith.extui %lt3A_77 : i1 to i32
      %cond3A_79 = arith.constant 0 : i32
      %cond3A_80 = arith.cmpi ne, %convert_element_type3A_78, %cond3A_79 : i32
      scf.if %cond3A_80 {
        %add3A_87 = arith.constant 1 : i32
        %add3A_88 = arith.addi %add3A_73, %add3A_87 : i32
        %mul3A_89 = arith.constant 80 : i32
        %mul3A_90 = arith.muli %add3A_88, %mul3A_89 : i32
        %dma_start3A_91 = tpu.memref_slice %arg7[%mul3A_90] : memref<10000xi32, #tpu.memory_space<vmem>> -> memref<80xi32, #tpu.memory_space<vmem>>
        %dma_start3A_92 = arith.constant 0 : i32
        %dma_start3A_93 = arith.constant 0 : i32
        %dma_start3A_94 = tpu.memref_slice %arg2[%dma_start3A_92, %dma_start3A_93] : memref<10000x128xf32, #tpu.memory_space<hbm>> -> memref<10000x128xf32, #tpu.memory_space<hbm>>
        tpu.enqueue_indirect_dma source(%dma_start3A_94 : memref<10000x128xf32, #tpu.memory_space<hbm>>) target(%arg9 : memref<80x128xf32, #tpu.memory_space<vmem>>) offsets(%dma_start3A_91 : memref<80xi32, #tpu.memory_space<vmem>>) semaphore(%arg12 : memref<!tpu.dma_semaphore, #tpu.memory_space<semaphore_mem>>)
      } else {
      }
      %mul3A_81 = arith.constant 80 : i32
      %mul3A_82 = arith.muli %add3A_73, %mul3A_81 : i32
      %dma_wait3A_83 = tpu.memref_slice %arg7[%mul3A_82] : memref<10000xi32, #tpu.memory_space<vmem>> -> memref<80xi32, #tpu.memory_space<vmem>>
      %dma_wait3A_84 = arith.constant 0 : i32
      %dma_wait3A_85 = arith.constant 0 : i32
      %dma_wait3A_86 = tpu.memref_slice %arg2[%dma_wait3A_84, %dma_wait3A_85] : memref<10000x128xf32, #tpu.memory_space<hbm>> -> memref<10000x128xf32, #tpu.memory_space<hbm>>
      tpu.wait_indirect_dma semaphore(%arg13 : memref<!tpu.dma_semaphore, #tpu.memory_space<semaphore_mem>>) src(%dma_wait3A_86 : memref<10000x128xf32, #tpu.memory_space<hbm>>) dst(%arg10 : memref<80x128xf32, #tpu.memory_space<vmem>>)
      "tpu.region"() ({
        %run_scoped3A_87 = tpu.sem_alloc : memref<!tpu.dma_semaphore, #tpu.memory_space<semaphore_mem>>
        %dma_start3A_88 = arith.constant 0 : i32
        %dma_start3A_89 = tpu.memref_slice %arg8[%add3A_73, %dma_start3A_88] : memref<125x80xi32, #tpu.memory_space<vmem>> -> memref<1x80xi32, #tpu.memory_space<vmem>>
        %dma_start3A_90 = tpu.memref_squeeze %dma_start3A_89 : memref<1x80xi32, #tpu.memory_space<vmem>> -> memref<80xi32, #tpu.memory_space<vmem>>
        %dma_start3A_91 = arith.constant 0 : i32
        %dma_start3A_92 = arith.constant 0 : i32
        %dma_start3A_93 = tpu.memref_slice %arg11[%dma_start3A_91, %dma_start3A_92] : memref<10000x128xf32, #tpu.memory_space<vmem_shared>> -> memref<10000x128xf32, #tpu.memory_space<vmem_shared>>
        tpu.enqueue_indirect_dma source(%arg10 : memref<80x128xf32, #tpu.memory_space<vmem>>) target(%dma_start3A_93 : memref<10000x128xf32, #tpu.memory_space<vmem_shared>>) offsets(%dma_start3A_90 : memref<80xi32, #tpu.memory_space<vmem>>) semaphore(%run_scoped3A_87 : memref<!tpu.dma_semaphore, #tpu.memory_space<semaphore_mem>>) {add = true}
        %dma_wait3A_94 = arith.constant 0 : i32
        %dma_wait3A_95 = tpu.memref_slice %arg8[%add3A_73, %dma_wait3A_94] : memref<125x80xi32, #tpu.memory_space<vmem>> -> memref<1x80xi32, #tpu.memory_space<vmem>>
        %dma_wait3A_96 = tpu.memref_squeeze %dma_wait3A_95 : memref<1x80xi32, #tpu.memory_space<vmem>> -> memref<80xi32, #tpu.memory_space<vmem>>
        %dma_wait3A_97 = arith.constant 0 : i32
        %dma_wait3A_98 = arith.constant 0 : i32
        %dma_wait3A_99 = tpu.memref_slice %arg11[%dma_wait3A_97, %dma_wait3A_98] : memref<10000x128xf32, #tpu.memory_space<vmem_shared>> -> memref<10000x128xf32, #tpu.memory_space<vmem_shared>>
        tpu.wait_indirect_dma semaphore(%run_scoped3A_87 : memref<!tpu.dma_semaphore, #tpu.memory_space<semaphore_mem>>) src(%arg10 : memref<80x128xf32, #tpu.memory_space<vmem>>) dst(%dma_wait3A_99 : memref<10000x128xf32, #tpu.memory_space<vmem_shared>>)
        tpu.yield
      }) : () -> ()
    }
    %scan3A_40 = arith.constant 62 : i32
    %dma_wait3A_41 = arith.constant 9920 : i32
    %dma_wait3A_42 = tpu.memref_slice %arg7[%dma_wait3A_41] : memref<10000xi32, #tpu.memory_space<vmem>> -> memref<80xi32, #tpu.memory_space<vmem>>
    %dma_wait3A_43 = arith.constant 0 : i32
    %dma_wait3A_44 = arith.constant 0 : i32
    %dma_wait3A_45 = tpu.memref_slice %arg2[%dma_wait3A_43, %dma_wait3A_44] : memref<10000x128xf32, #tpu.memory_space<hbm>> -> memref<10000x128xf32, #tpu.memory_space<hbm>>
    tpu.wait_indirect_dma semaphore(%arg12 : memref<!tpu.dma_semaphore, #tpu.memory_space<semaphore_mem>>) src(%dma_wait3A_45 : memref<10000x128xf32, #tpu.memory_space<hbm>>) dst(%arg9 : memref<80x128xf32, #tpu.memory_space<vmem>>)
    %run_scoped3A = arith.constant 124 : i32
    "tpu.region"() ({
      %run_scoped3A_57 = tpu.sem_alloc : memref<!tpu.dma_semaphore, #tpu.memory_space<semaphore_mem>>
      %dma_start3A_58 = arith.constant 0 : i32
      %dma_start3A_59 = tpu.memref_slice %arg8[%run_scoped3A, %dma_start3A_58] : memref<125x80xi32, #tpu.memory_space<vmem>> -> memref<1x80xi32, #tpu.memory_space<vmem>>
      %dma_start3A_60 = tpu.memref_squeeze %dma_start3A_59 : memref<1x80xi32, #tpu.memory_space<vmem>> -> memref<80xi32, #tpu.memory_space<vmem>>
      %dma_start3A_61 = arith.constant 0 : i32
      %dma_start3A_62 = arith.constant 0 : i32
      %dma_start3A_63 = tpu.memref_slice %arg11[%dma_start3A_61, %dma_start3A_62] : memref<10000x128xf32, #tpu.memory_space<vmem_shared>> -> memref<10000x128xf32, #tpu.memory_space<vmem_shared>>
      tpu.enqueue_indirect_dma source(%arg9 : memref<80x128xf32, #tpu.memory_space<vmem>>) target(%dma_start3A_63 : memref<10000x128xf32, #tpu.memory_space<vmem_shared>>) offsets(%dma_start3A_60 : memref<80xi32, #tpu.memory_space<vmem>>) semaphore(%run_scoped3A_57 : memref<!tpu.dma_semaphore, #tpu.memory_space<semaphore_mem>>) {add = true}
      %dma_wait3A_64 = arith.constant 0 : i32
      %dma_wait3A_65 = tpu.memref_slice %arg8[%run_scoped3A, %dma_wait3A_64] : memref<125x80xi32, #tpu.memory_space<vmem>> -> memref<1x80xi32, #tpu.memory_space<vmem>>
      %dma_wait3A_66 = tpu.memref_squeeze %dma_wait3A_65 : memref<1x80xi32, #tpu.memory_space<vmem>> -> memref<80xi32, #tpu.memory_space<vmem>>
      %dma_wait3A_67 = arith.constant 0 : i32
      %dma_wait3A_68 = arith.constant 0 : i32
      %dma_wait3A_69 = tpu.memref_slice %arg11[%dma_wait3A_67, %dma_wait3A_68] : memref<10000x128xf32, #tpu.memory_space<vmem_shared>> -> memref<10000x128xf32, #tpu.memory_space<vmem_shared>>
      tpu.wait_indirect_dma semaphore(%run_scoped3A_57 : memref<!tpu.dma_semaphore, #tpu.memory_space<semaphore_mem>>) src(%arg9 : memref<80x128xf32, #tpu.memory_space<vmem>>) dst(%dma_wait3A_69 : memref<10000x128xf32, #tpu.memory_space<vmem_shared>>)
      tpu.yield
    }) : () -> ()
    %barrier3A_46 = arith.constant 0 : index
    tpu.barrier barrier_id(%barrier3A_46)
    %mul3A_47 = arith.constant 624 : i32
    %mul3A_48 = arith.muli %arg1, %mul3A_47 : i32
    %mul3A_49 = arith.constant 10000 : i32
    %mul3A_50 = arith.muli %arg0, %mul3A_49 : i32
    %add3A_51 = arith.addi %mul3A_50, %mul3A_48 : i32
    "tpu.region"() ({
      %run_scoped3A_57 = tpu.sem_alloc : memref<!tpu.dma_semaphore, #tpu.memory_space<semaphore_mem>>
      %dma_start3A_58 = arith.constant 0 : i32
      %dma_start3A_59 = tpu.memref_slice %arg6[%add3A_51, %dma_start3A_58] : memref<20000x128xf32, #tpu.memory_space<hbm>> -> memref<624x128xf32, #tpu.memory_space<hbm>>
      %dma_start3A_60 = arith.constant 0 : i32
      %dma_start3A_61 = tpu.memref_slice %arg11[%mul3A_48, %dma_start3A_60] : memref<10000x128xf32, #tpu.memory_space<vmem_shared>> -> memref<624x128xf32, #tpu.memory_space<vmem_shared>>
      tpu.enqueue_dma source(%dma_start3A_61 : memref<624x128xf32, #tpu.memory_space<vmem_shared>>) target(%dma_start3A_59 : memref<624x128xf32, #tpu.memory_space<hbm>>) target_semaphore(%run_scoped3A_57 : memref<!tpu.dma_semaphore, #tpu.memory_space<semaphore_mem>>)
      %dma_wait3A_62 = arith.constant 0 : i32
      %dma_wait3A_63 = tpu.memref_slice %arg6[%add3A_51, %dma_wait3A_62] : memref<20000x128xf32, #tpu.memory_space<hbm>> -> memref<624x128xf32, #tpu.memory_space<hbm>>
      %dma_wait3A_64 = arith.constant 0 : i32
      %dma_wait3A_65 = tpu.memref_slice %arg11[%mul3A_48, %dma_wait3A_64] : memref<10000x128xf32, #tpu.memory_space<vmem_shared>> -> memref<624x128xf32, #tpu.memory_space<vmem_shared>>
      tpu.wait_dma2 semaphore(%run_scoped3A_57 : memref<!tpu.dma_semaphore, #tpu.memory_space<semaphore_mem>>) src(%dma_wait3A_65 : memref<624x128xf32, #tpu.memory_space<vmem_shared>>) dst(%dma_wait3A_63 : memref<624x128xf32, #tpu.memory_space<hbm>>)
      tpu.yield
    }) : () -> ()
    %eq3A_52 = arith.constant 15 : i32
    %eq3A_53 = arith.cmpi eq, %arg1, %eq3A_52 : i32
    %convert_element_type3A_54 = arith.extui %eq3A_53 : i1 to i32
    %cond3A_55 = arith.constant 0 : i32
    %cond3A_56 = arith.cmpi ne, %convert_element_type3A_54, %cond3A_55 : i32
    scf.if %cond3A_56 {
      %mul3A_57 = arith.constant 10000 : i32
      %mul3A_58 = arith.muli %arg0, %mul3A_57 : i32
      %add3A_59 = arith.constant 9984 : i32
      %add3A_60 = arith.addi %mul3A_58, %add3A_59 : i32
      "tpu.region"() ({
        %run_scoped3A_61 = tpu.sem_alloc : memref<!tpu.dma_semaphore, #tpu.memory_space<semaphore_mem>>
        %dma_start3A_62 = arith.constant 0 : i32
        %dma_start3A_63 = tpu.memref_slice %arg6[%add3A_60, %dma_start3A_62] : memref<20000x128xf32, #tpu.memory_space<hbm>> -> memref<16x128xf32, #tpu.memory_space<hbm>>
        %dma_start3A_64 = arith.constant 9984 : i32
        %dma_start3A_65 = arith.constant 0 : i32
        %dma_start3A_66 = tpu.memref_slice %arg11[%dma_start3A_64, %dma_start3A_65] : memref<10000x128xf32, #tpu.memory_space<vmem_shared>> -> memref<16x128xf32, #tpu.memory_space<vmem_shared>>
        tpu.enqueue_dma source(%dma_start3A_66 : memref<16x128xf32, #tpu.memory_space<vmem_shared>>) target(%dma_start3A_63 : memref<16x128xf32, #tpu.memory_space<hbm>>) target_semaphore(%run_scoped3A_61 : memref<!tpu.dma_semaphore, #tpu.memory_space<semaphore_mem>>)
        %dma_wait3A_67 = arith.constant 0 : i32
        %dma_wait3A_68 = tpu.memref_slice %arg6[%add3A_60, %dma_wait3A_67] : memref<20000x128xf32, #tpu.memory_space<hbm>> -> memref<16x128xf32, #tpu.memory_space<hbm>>
        %dma_wait3A_69 = arith.constant 9984 : i32
        %dma_wait3A_70 = arith.constant 0 : i32
        %dma_wait3A_71 = tpu.memref_slice %arg11[%dma_wait3A_69, %dma_wait3A_70] : memref<10000x128xf32, #tpu.memory_space<vmem_shared>> -> memref<16x128xf32, #tpu.memory_space<vmem_shared>>
        tpu.wait_dma2 semaphore(%run_scoped3A_61 : memref<!tpu.dma_semaphore, #tpu.memory_space<semaphore_mem>>) src(%dma_wait3A_71 : memref<16x128xf32, #tpu.memory_space<vmem_shared>>) dst(%dma_wait3A_68 : memref<16x128xf32, #tpu.memory_space<hbm>>)
        tpu.yield
      }) : () -> ()
    } else {
    }
    return
  }
}

module attributes {stable_mosaic.version = 14 : i64} {
  func.func @_tc_body(%arg0: i32, %arg1: memref<2000x128xf32, #tpu.memory_space<vmem>>, %arg2: memref<2000x128xf32, #tpu.memory_space<vmem>>, %arg3: memref<2000x128xf32, #tpu.memory_space<vmem>>, %arg4: memref<2000x128xf32, #tpu.memory_space<vmem>>, %arg5: memref<2000x128xf32, #tpu.memory_space<vmem>>, %arg6: memref<128x128xf32, #tpu.memory_space<vmem>>, %arg7: memref<128x128xf32, #tpu.memory_space<vmem>>, %arg8: memref<1x128xf32, #tpu.memory_space<vmem>>, %arg9: memref<1x128xf32, #tpu.memory_space<vmem>>, %arg10: memref<2000x128xf32, #tpu.memory_space<vmem>>) attributes {dimension_semantics = [#tpu.dimension_semantics<arbitrary>], iteration_bounds = array<i64: 5>, scalar_prefetch = 0 : i64, scratch_operands = 0 : i64, tpu.core_type = #tpu.core_type<tc>, window_params = [{transform_indices = @transform_0, window_bounds = array<i64: 2000, 128>}, {transform_indices = @transform_1, window_bounds = array<i64: 2000, 128>}, {transform_indices = @transform_2, window_bounds = array<i64: 2000, 128>}, {transform_indices = @transform_3, window_bounds = array<i64: 2000, 128>}, {transform_indices = @transform_4, window_bounds = array<i64: 2000, 128>}, {pipeline_mode = #tpu.pipeline_mode<synchronous>, transform_indices = @transform_5, window_bounds = array<i64: 128, 128>}, {pipeline_mode = #tpu.pipeline_mode<synchronous>, transform_indices = @transform_6, window_bounds = array<i64: 128, 128>}, {pipeline_mode = #tpu.pipeline_mode<synchronous>, transform_indices = @transform_7, window_bounds = array<i64: 1, 128>}, {pipeline_mode = #tpu.pipeline_mode<synchronous>, transform_indices = @transform_8, window_bounds = array<i64: 1, 128>}, {transform_indices = @transform_9, window_bounds = array<i64: 2000, 128>}]} {
    %get3A = arith.constant 0 : index
    %get3A_0 = arith.constant 0 : index
    %get3A_1 = vector.load %arg4[%get3A, %get3A_0] : memref<2000x128xf32, #tpu.memory_space<vmem>>, vector<2000x1xf32>
    %get3A_2 = arith.constant 0 : index
    %get3A_3 = arith.constant 0 : index
    %get3A_4 = vector.load %arg5[%get3A_2, %get3A_3] : memref<2000x128xf32, #tpu.memory_space<vmem>>, vector<2000x1xf32>
    %add3A = arith.addf %get3A_1, %get3A_4 : vector<2000x1xf32>
    %max3A = arith.constant 1.000000e+00 : f32
    %max3A_5 = vector.broadcast %max3A : f32 to vector<2000x1xf32>
    %max3A_6 = arith.maximumf %add3A, %max3A_5 : vector<2000x1xf32>
    %div3A = arith.constant 1.000000e+00 : f32
    %div3A_7 = vector.broadcast %div3A : f32 to vector<2000x1xf32>
    %div3A_8 = arith.divf %div3A_7, %max3A_6 : vector<2000x1xf32>
    %get3A_9 = arith.constant 0 : index
    %get3A_10 = arith.constant 0 : index
    %get3A_11 = vector.load %arg2[%get3A_9, %get3A_10] : memref<2000x128xf32, #tpu.memory_space<vmem>>, vector<2000x128xf32>
    %get3A_12 = arith.constant 0 : index
    %get3A_13 = arith.constant 0 : index
    %get3A_14 = vector.load %arg3[%get3A_12, %get3A_13] : memref<2000x128xf32, #tpu.memory_space<vmem>>, vector<2000x128xf32>
    %add3A_15 = arith.addf %get3A_11, %get3A_14 : vector<2000x128xf32>
    %get3A_16 = arith.constant 0 : index
    %get3A_17 = arith.constant 0 : index
    %get3A_18 = vector.load %arg4[%get3A_16, %get3A_17] : memref<2000x128xf32, #tpu.memory_space<vmem>>, vector<2000x128xf32>
    %sub3A = arith.subf %add3A_15, %get3A_18 : vector<2000x128xf32>
    %get3A_19 = arith.constant 0 : index
    %get3A_20 = arith.constant 0 : index
    %get3A_21 = vector.load %arg5[%get3A_19, %get3A_20] : memref<2000x128xf32, #tpu.memory_space<vmem>>, vector<2000x128xf32>
    %sub3A_22 = arith.subf %sub3A, %get3A_21 : vector<2000x128xf32>
    %mul3A = vector.broadcast %div3A_8 : vector<2000x1xf32> to vector<2000x128xf32>
    %mul3A_23 = arith.mulf %sub3A_22, %mul3A : vector<2000x128xf32>
    %get3A_24 = arith.constant 0 : index
    %get3A_25 = arith.constant 0 : index
    %get3A_26 = vector.load %arg1[%get3A_24, %get3A_25] : memref<2000x128xf32, #tpu.memory_space<vmem>>, vector<2000x128xf32>
    %concatenate3A = tpu.concatenate %get3A_26, %mul3A_23 in 1 : vector<2000x128xf32>, vector<2000x128xf32> -> vector<2000x256xf32>
    %get3A_27 = arith.constant 0 : index
    %get3A_28 = arith.constant 0 : index
    %get3A_29 = vector.load %arg6[%get3A_27, %get3A_28] : memref<128x128xf32, #tpu.memory_space<vmem>>, vector<128x128xf32>
    %get3A_30 = arith.constant 0 : index
    %get3A_31 = arith.constant 0 : index
    %get3A_32 = vector.load %arg7[%get3A_30, %get3A_31] : memref<128x128xf32, #tpu.memory_space<vmem>>, vector<128x128xf32>
    %concatenate3A_33 = tpu.concatenate %get3A_29, %get3A_32 in 0 : vector<128x128xf32>, vector<128x128xf32> -> vector<256x128xf32>
    %dot_general3A = arith.constant dense<0.000000e+00> : vector<2000x128xf32>
    %dot_general3A_34 = tpu.matmul %concatenate3A, %concatenate3A_33, %dot_general3A {dimension_numbers = #tpu.dot_dimension_numbers<[1], [0], [0], [1], [0, 0, 1, 1], [], []>, transpose_lhs_hint = false} : vector<2000x256xf32>, vector<256x128xf32>, vector<2000x128xf32> -> vector<2000x128xf32>
    %get3A_35 = arith.constant 0 : index
    %get3A_36 = arith.constant 0 : index
    %get3A_37 = vector.load %arg8[%get3A_35, %get3A_36] : memref<1x128xf32, #tpu.memory_space<vmem>>, vector<1x128xf32>
    %add3A_38 = vector.broadcast %get3A_37 : vector<1x128xf32> to vector<2000x128xf32>
    %add3A_39 = arith.addf %dot_general3A_34, %add3A_38 : vector<2000x128xf32>
    %get3A_40 = arith.constant 0 : index
    %get3A_41 = arith.constant 0 : index
    %get3A_42 = vector.load %arg9[%get3A_40, %get3A_41] : memref<1x128xf32, #tpu.memory_space<vmem>>, vector<1x128xf32>
    %add3A_43 = vector.broadcast %get3A_42 : vector<1x128xf32> to vector<2000x128xf32>
    %add3A_44 = arith.addf %add3A_39, %add3A_43 : vector<2000x128xf32>
    %swap3A = arith.constant 0 : index
    %swap3A_45 = arith.constant 0 : index
    %swap3A_46 = vector.load %arg10[%swap3A, %swap3A_45] : memref<2000x128xf32, #tpu.memory_space<vmem>>, vector<2000x128xf32>
    tpu.vector_store %arg10[%swap3A, %swap3A_45], %add3A_44 {strides = array<i32>} : memref<2000x128xf32, #tpu.memory_space<vmem>>, vector<2000x128xf32>,
    return
  }
  func.func @transform_0(%arg0: i32) -> (i32, i32) {
    %c0_i32 = arith.constant 0 : i32
    %c0_i32_0 = arith.constant 0 : i32
    return %arg0, %c0_i32 : i32, i32
  }
  func.func @transform_1(%arg0: i32) -> (i32, i32) {
    %c0_i32 = arith.constant 0 : i32
    %c0_i32_0 = arith.constant 0 : i32
    return %arg0, %c0_i32 : i32, i32
  }
  func.func @transform_2(%arg0: i32) -> (i32, i32) {
    %add3A = arith.constant 5 : i32
    %add3A_0 = arith.addi %arg0, %add3A : i32
    %c0_i32 = arith.constant 0 : i32
    %c0_i32_1 = arith.constant 0 : i32
    return %add3A_0, %c0_i32 : i32, i32
  }
  func.func @transform_3(%arg0: i32) -> (i32, i32) {
    %c0_i32 = arith.constant 0 : i32
    %c0_i32_0 = arith.constant 0 : i32
    return %arg0, %c0_i32 : i32, i32
  }
  func.func @transform_4(%arg0: i32) -> (i32, i32) {
    %add3A = arith.constant 5 : i32
    %add3A_0 = arith.addi %arg0, %add3A : i32
    %c0_i32 = arith.constant 0 : i32
    %c0_i32_1 = arith.constant 0 : i32
    return %add3A_0, %c0_i32 : i32, i32
  }
  func.func @transform_5(%arg0: i32) -> (i32, i32) {
    %c0_i32 = arith.constant 0 : i32
    %c0_i32_0 = arith.constant 0 : i32
    %c0_i32_1 = arith.constant 0 : i32
    return %c0_i32, %c0_i32_0 : i32, i32
  }
  func.func @transform_6(%arg0: i32) -> (i32, i32) {
    %c0_i32 = arith.constant 0 : i32
    %c0_i32_0 = arith.constant 0 : i32
    %c0_i32_1 = arith.constant 0 : i32
    return %c0_i32, %c0_i32_0 : i32, i32
  }
  func.func @transform_7(%arg0: i32) -> (i32, i32) {
    %c0_i32 = arith.constant 0 : i32
    %c0_i32_0 = arith.constant 0 : i32
    %c0_i32_1 = arith.constant 0 : i32
    return %c0_i32, %c0_i32_0 : i32, i32
  }
  func.func @transform_8(%arg0: i32) -> (i32, i32) {
    %c0_i32 = arith.constant 0 : i32
    %c0_i32_0 = arith.constant 0 : i32
    %c0_i32_1 = arith.constant 0 : i32
    return %c0_i32, %c0_i32_0 : i32, i32
  }
  func.func @transform_9(%arg0: i32) -> (i32, i32) {
    %c0_i32 = arith.constant 0 : i32
    %c0_i32_0 = arith.constant 0 : i32
    return %arg0, %c0_i32 : i32, i32
  }
}

module attributes {stable_mosaic.version = 14 : i64} {
  func.func @_tc_body(%arg0: i32, %arg1: memref<2000x128xf32, #tpu.memory_space<vmem>>, %arg2: memref<2000x128xf32, #tpu.memory_space<vmem>>, %arg3: memref<2000x128xf32, #tpu.memory_space<vmem>>, %arg4: memref<2000x128xf32, #tpu.memory_space<vmem>>, %arg5: memref<2000x128xf32, #tpu.memory_space<vmem>>, %arg6: memref<128x128xf32, #tpu.memory_space<vmem>>, %arg7: memref<128x128xf32, #tpu.memory_space<vmem>>, %arg8: memref<1x128xf32, #tpu.memory_space<vmem>>, %arg9: memref<1x128xf32, #tpu.memory_space<vmem>>, %arg10: memref<2000x128xf32, #tpu.memory_space<vmem>>) attributes {dimension_semantics = [#tpu.dimension_semantics<arbitrary>], iteration_bounds = array<i64: 5>, scalar_prefetch = 0 : i64, scratch_operands = 0 : i64, tpu.core_type = #tpu.core_type<tc>, window_params = [{transform_indices = @transform_0, window_bounds = array<i64: 2000, 128>}, {transform_indices = @transform_1, window_bounds = array<i64: 2000, 128>}, {transform_indices = @transform_2, window_bounds = array<i64: 2000, 128>}, {transform_indices = @transform_3, window_bounds = array<i64: 2000, 128>}, {transform_indices = @transform_4, window_bounds = array<i64: 2000, 128>}, {pipeline_mode = #tpu.pipeline_mode<synchronous>, transform_indices = @transform_5, window_bounds = array<i64: 128, 128>}, {pipeline_mode = #tpu.pipeline_mode<synchronous>, transform_indices = @transform_6, window_bounds = array<i64: 128, 128>}, {pipeline_mode = #tpu.pipeline_mode<synchronous>, transform_indices = @transform_7, window_bounds = array<i64: 1, 128>}, {pipeline_mode = #tpu.pipeline_mode<synchronous>, transform_indices = @transform_8, window_bounds = array<i64: 1, 128>}, {transform_indices = @transform_9, window_bounds = array<i64: 2000, 128>}]} {
    %get3A = arith.constant 0 : index
    %get3A_0 = arith.constant 0 : index
    %get3A_1 = vector.load %arg4[%get3A, %get3A_0] : memref<2000x128xf32, #tpu.memory_space<vmem>>, vector<2000x1xf32>
    %get3A_2 = arith.constant 0 : index
    %get3A_3 = arith.constant 0 : index
    %get3A_4 = vector.load %arg5[%get3A_2, %get3A_3] : memref<2000x128xf32, #tpu.memory_space<vmem>>, vector<2000x1xf32>
    %add3A = arith.addf %get3A_1, %get3A_4 : vector<2000x1xf32>
    %max3A = arith.constant 1.000000e+00 : f32
    %max3A_5 = vector.broadcast %max3A : f32 to vector<2000x1xf32>
    %max3A_6 = arith.maximumf %add3A, %max3A_5 : vector<2000x1xf32>
    %div3A = arith.constant 1.000000e+00 : f32
    %div3A_7 = vector.broadcast %div3A : f32 to vector<2000x1xf32>
    %div3A_8 = arith.divf %div3A_7, %max3A_6 : vector<2000x1xf32>
    %get3A_9 = arith.constant 0 : index
    %get3A_10 = arith.constant 0 : index
    %get3A_11 = vector.load %arg2[%get3A_9, %get3A_10] : memref<2000x128xf32, #tpu.memory_space<vmem>>, vector<2000x128xf32>
    %get3A_12 = arith.constant 0 : index
    %get3A_13 = arith.constant 0 : index
    %get3A_14 = vector.load %arg3[%get3A_12, %get3A_13] : memref<2000x128xf32, #tpu.memory_space<vmem>>, vector<2000x128xf32>
    %add3A_15 = arith.addf %get3A_11, %get3A_14 : vector<2000x128xf32>
    %mul3A = vector.broadcast %div3A_8 : vector<2000x1xf32> to vector<2000x128xf32>
    %mul3A_16 = arith.mulf %add3A_15, %mul3A : vector<2000x128xf32>
    %get3A_17 = arith.constant 0 : index
    %get3A_18 = arith.constant 0 : index
    %get3A_19 = vector.load %arg1[%get3A_17, %get3A_18] : memref<2000x128xf32, #tpu.memory_space<vmem>>, vector<2000x128xf32>
    %concatenate3A = tpu.concatenate %get3A_19, %mul3A_16 in 1 : vector<2000x128xf32>, vector<2000x128xf32> -> vector<2000x256xf32>
    %get3A_20 = arith.constant 0 : index
    %get3A_21 = arith.constant 0 : index
    %get3A_22 = vector.load %arg6[%get3A_20, %get3A_21] : memref<128x128xf32, #tpu.memory_space<vmem>>, vector<128x128xf32>
    %get3A_23 = arith.constant 0 : index
    %get3A_24 = arith.constant 0 : index
    %get3A_25 = vector.load %arg7[%get3A_23, %get3A_24] : memref<128x128xf32, #tpu.memory_space<vmem>>, vector<128x128xf32>
    %concatenate3A_26 = tpu.concatenate %get3A_22, %get3A_25 in 0 : vector<128x128xf32>, vector<128x128xf32> -> vector<256x128xf32>
    %dot_general3A = arith.constant dense<0.000000e+00> : vector<2000x128xf32>
    %dot_general3A_27 = tpu.matmul %concatenate3A, %concatenate3A_26, %dot_general3A {dimension_numbers = #tpu.dot_dimension_numbers<[1], [0], [0], [1], [0, 0, 1, 1], [], []>, transpose_lhs_hint = false} : vector<2000x256xf32>, vector<256x128xf32>, vector<2000x128xf32> -> vector<2000x128xf32>
    %get3A_28 = arith.constant 0 : index
    %get3A_29 = arith.constant 0 : index
    %get3A_30 = vector.load %arg8[%get3A_28, %get3A_29] : memref<1x128xf32, #tpu.memory_space<vmem>>, vector<1x128xf32>
    %add3A_31 = vector.broadcast %get3A_30 : vector<1x128xf32> to vector<2000x128xf32>
    %add3A_32 = arith.addf %dot_general3A_27, %add3A_31 : vector<2000x128xf32>
    %get3A_33 = arith.constant 0 : index
    %get3A_34 = arith.constant 0 : index
    %get3A_35 = vector.load %arg9[%get3A_33, %get3A_34] : memref<1x128xf32, #tpu.memory_space<vmem>>, vector<1x128xf32>
    %add3A_36 = vector.broadcast %get3A_35 : vector<1x128xf32> to vector<2000x128xf32>
    %add3A_37 = arith.addf %add3A_32, %add3A_36 : vector<2000x128xf32>
    %swap3A = arith.constant 0 : index
    %swap3A_38 = arith.constant 0 : index
    %swap3A_39 = vector.load %arg10[%swap3A, %swap3A_38] : memref<2000x128xf32, #tpu.memory_space<vmem>>, vector<2000x128xf32>
    tpu.vector_store %arg10[%swap3A, %swap3A_38], %add3A_37 {strides = array<i32>} : memref<2000x128xf32, #tpu.memory_space<vmem>>, vector<2000x128xf32>,
    return
  }
  func.func @transform_0(%arg0: i32) -> (i32, i32) {
    %c0_i32 = arith.constant 0 : i32
    %c0_i32_0 = arith.constant 0 : i32
    return %arg0, %c0_i32 : i32, i32
  }
  func.func @transform_1(%arg0: i32) -> (i32, i32) {
    %c0_i32 = arith.constant 0 : i32
    %c0_i32_0 = arith.constant 0 : i32
    return %arg0, %c0_i32 : i32, i32
  }
  func.func @transform_2(%arg0: i32) -> (i32, i32) {
    %add3A = arith.constant 5 : i32
    %add3A_0 = arith.addi %arg0, %add3A : i32
    %c0_i32 = arith.constant 0 : i32
    %c0_i32_1 = arith.constant 0 : i32
    return %add3A_0, %c0_i32 : i32, i32
  }
  func.func @transform_3(%arg0: i32) -> (i32, i32) {
    %c0_i32 = arith.constant 0 : i32
    %c0_i32_0 = arith.constant 0 : i32
    return %arg0, %c0_i32 : i32, i32
  }
  func.func @transform_4(%arg0: i32) -> (i32, i32) {
    %add3A = arith.constant 5 : i32
    %add3A_0 = arith.addi %arg0, %add3A : i32
    %c0_i32 = arith.constant 0 : i32
    %c0_i32_1 = arith.constant 0 : i32
    return %add3A_0, %c0_i32 : i32, i32
  }
  func.func @transform_5(%arg0: i32) -> (i32, i32) {
    %c0_i32 = arith.constant 0 : i32
    %c0_i32_0 = arith.constant 0 : i32
    %c0_i32_1 = arith.constant 0 : i32
    return %c0_i32, %c0_i32_0 : i32, i32
  }
  func.func @transform_6(%arg0: i32) -> (i32, i32) {
    %c0_i32 = arith.constant 0 : i32
    %c0_i32_0 = arith.constant 0 : i32
    %c0_i32_1 = arith.constant 0 : i32
    return %c0_i32, %c0_i32_0 : i32, i32
  }
  func.func @transform_7(%arg0: i32) -> (i32, i32) {
    %c0_i32 = arith.constant 0 : i32
    %c0_i32_0 = arith.constant 0 : i32
    %c0_i32_1 = arith.constant 0 : i32
    return %c0_i32, %c0_i32_0 : i32, i32
  }
  func.func @transform_8(%arg0: i32) -> (i32, i32) {
    %c0_i32 = arith.constant 0 : i32
    %c0_i32_0 = arith.constant 0 : i32
    %c0_i32_1 = arith.constant 0 : i32
    return %c0_i32, %c0_i32_0 : i32, i32
  }
  func.func @transform_9(%arg0: i32) -> (i32, i32) {
    %c0_i32 = arith.constant 0 : i32
    %c0_i32_0 = arith.constant 0 : i32
    return %arg0, %c0_i32 : i32, i32
  }
}

</mosaic_0001>

<sc_bundles>
// kernel: kernel.6.cloned.1.call-start
scs
__scs_entry_jumppad:
0x0: {  	(pc) =	sbr.rel $0x88, $3  }
0x1: {  	(tag) =	ssettag $0x0;
	lr =	simm.s32 $0x1  }
0x2: {  	[smem:$0x3F97] =	sst lr;
	_ =	strace $0xD0000000  }
0x3: {  	_ = 	snop  }
0x4: {  	_ = 	snop  }
0x5: {  	_ = 	snop  }
0x6: {  	_ = 	snop  }
0x7: {  	_ = 	snop  }
__scs_overlays_trampoline_lowered:
0x8: {  	[smem:$0x3FA6] =	sst s0  }
0x9: {  	[smem:$0x3FA7] =	sst s1  }
0xa: {  	[smem:$0x3FA8] =	sst s2  }
0xb: {  	[smem:$0x3FA9] =	sst s3  }
0xc: {  	[smem:$0x3FAA] =	sst s4  }
0xd: {  	[smem:$0x3FAB] =	sst s5  }
0xe: {  	[smem:$0x3FAC] =	sst s6  }
0xf: {  	[smem:$0x3FAD] =	sst s7  }
0x10: {  	[smem:$0x3FAE] =	sst s8  }
0x11: {  	[smem:$0x3FAF] =	sst s9;
	s0 =	simm.s32 @!p0 $0x0  }
0x12: {  	s1 =	sld [smem:$0x3F95];
	s0 =	simm.s32 @p0 $0x1  }
0x13: {  	[smem:$0x3FB0] =	sst s0;
	s0 =	simm.s32 @!p1 $0x0  }
0x14: {  	s2 =	sld [smem:$0x3F94];
	s0 =	simm.s32 @p1 $0x1  }
0x15: {  	[smem:$0x3FB1] =	sst s0;
	s0 =	simm.s32 @!p2 $0x0  }
0x16: {  	s3 =	sld [smem:$0x3FDB];
	s0 =	simm.s32 @p2 $0x1  }
0x17: {  	s4 =	simm.s32 $0x1BF5;
	[smem:$0x3FB3] =	sst s0  }
0x18: {  	s0 =	sld [smem:$0x3F96];
	_ =	swait.ge [sflag:s4], $0x0  }
0x19: {  	s7 =	sld [smem:$0x3F97]  }
0x1a: {  	s8 =	sadd.s32 $0xFFFFE003, lr  }
0x1b: {  	s9 =	sadd.s32 $0xFFFFFEF7, lr;
	s5 =	simm.s32 $0xFFFFFFFF;
	p2 =	slt.u32 s8, $0xFFFFF086  }
0x1c: {  	p1 =	slt.u32 s9, $0xF7A;
	s5 =	simm.s32 @!p2 $0x0  }
0x1d: {  	s5 =	simm.s32 @p1 $0x1;
	p0 =	seq.s32 s7, s2  }
0x1e: {  	s7 =	smul.u32 @!p0 $0xF7A, s2;
	p2 =	seq.s32 @!p0 s5, $0x0  }
0x1f: {  	s9 =	smul.u32 $0xF7A, s1;
	s8 =	simm.s32 @!p0 $0x1BF5;
	p2 =	por !p2, p0  }
0x20: {  	[sflag:s8] =	ssyncset.s32 @!p0 $0xFFFFF086;
	s6 =	sadd.s32 @!p0 s3, s7;
	s7 =	simm.s32 @!p0 $0x108  }
0x21: {  	s3 =	sadd.s32 s3, s9;
	s6 =	sadd.s32 @!p0 $0x88, s6;
	s7 =	simm.s32 @p2 $0x1082  }
0x22: {  	[simem:s7], [sflag:s8] =	dma.local @!p0 [hbm:s6], $0xF7A  }
0x23: {  	s9 =	sor.u32 $0xD0000000, s2;
	s6 =	simm.s32 $0x108;
	_ =	swait.ge @!p0 [sflag:s8], $0x0  }
0x24: {  	s3 =	sadd.s32 $0x88, s3;
	s6 =	simm.s32 @!p1 $0x1082;
	[sflag:s4] =	ssyncset.s32 $0xFFFFF086  }
0x25: {  	[simem:s6], [sflag:s4] =	dma.local [hbm:s3], $0xF7A  }
0x26: {  	[smem:$0x3F97] =	sst s1;
	(tag) =	ssettag s2;
	_ =	strace s9  }
0x27: {  	s1 =	sld [smem:$0x3FA7]  }
0x28: {  	s2 =	sld [smem:$0x3FA8]  }
0x29: {  	s4 =	sld [smem:$0x3FAA]  }
0x2a: {  	p0 =	seq.s32 s5, $0x0;
	s5 =	sld [smem:$0x3FAB]  }
0x2b: {  	s6 =	sld [smem:$0x3FAC]  }
0x2c: {  	s7 =	sld [smem:$0x3FAD]  }
0x2d: {  	s3 =	simm.s32 $0x108;
	s8 =	sld [smem:$0x3FAE]  }
0x2e: {  	s3 =	simm.s32 @!p0 $0x1082;
	s9 =	sld [smem:$0x3FAF]  }
0x2f: {  	lr =	sadd.s32 s0, s3;
	s0 =	sld [smem:$0x3FA6]  }
0x30: {  	s3 =	sld [smem:$0x3FA9]  }
0x31: {  	[smem:$0x3FB2] =	sst s10  }
0x32: {  	s10 =	sld [smem:$0x3FB0];
	_ =	sdelay $0x3  }
0x33: {  	p0 =	seq.s32 s10, $0x1;
	s10 =	sld [smem:$0x3FB2];
	_ =	sdelay $0x3  }
0x34: {  	[smem:$0x3FB2] =	sst s10  }
0x35: {  	s10 =	sld [smem:$0x3FB1];
	_ =	sdelay $0x3  }
0x36: {  	p1 =	seq.s32 s10, $0x1;
	s10 =	sld [smem:$0x3FB2];
	_ =	sdelay $0x3  }
0x37: {  	[smem:$0x3FB2] =	sst s10  }
0x38: {  	s10 =	sld [smem:$0x3FB3]  }
0x39: {  	_ = 	snop;
	(pc) =	sbr.ind lr, $3  }
0x3a: {  	_ = 	snop  }
0x3b: {  	_ = 	snop  }
0x3c: {  	p2 =	seq.s32 s10, $0x1;
	s10 =	sld [smem:$0x3FB2]  }
0x3d: {  	_ =	shalt  }
0x3e: {  	_ =	shalt  }
0x3f: {  	_ =	shalt  }
0x40: {  	_ =	shalt  }
0x41: {  	_ =	shalt  }
0x42: {  	_ =	shalt  }
0x43: {  	_ =	shalt  }
0x44: {  	_ =	shalt  }
0x45: {  	_ =	shalt  }
0x46: {  	_ =	shalt  }
0x47: {  	_ =	shalt  }
0x48: {  	_ =	shalt  }
0x49: {  	_ =	shalt  }
0x4a: {  	_ =	shalt  }
0x4b: {  	_ =	shalt  }
0x4c: {  	_ =	shalt  }
0x4d: {  	_ =	shalt  }
0x4e: {  	_ =	shalt  }
0x4f: {  	_ =	shalt  }
0x50: {  	_ =	shalt  }
0x51: {  	_ =	shalt  }
0x52: {  	_ =	shalt  }
0x53: {  	_ =	shalt  }
0x54: {  	_ =	shalt  }
0x55: {  	_ =	shalt  }
0x56: {  	_ =	shalt  }
0x57: {  	_ =	shalt  }
0x58: {  	_ =	shalt  }
0x59: {  	_ =	shalt  }
0x5a: {  	_ =	shalt  }
0x5b: {  	_ =	shalt  }
0x5c: {  	_ =	shalt  }
0x5d: {  	_ =	shalt  }
0x5e: {  	_ =	shalt  }
0x5f: {  	_ =	shalt  }
0x60: {  	_ =	shalt  }
0x61: {  	_ =	shalt  }
0x62: {  	_ =	shalt  }
0x63: {  	_ =	shalt  }
0x64: {  	_ =	shalt  }
0x65: {  	_ =	shalt  }
0x66: {  	_ =	shalt  }
0x67: {  	_ =	shalt  }
0x68: {  	_ =	shalt  }
0x69: {  	_ =	shalt  }
0x6a: {  	_ =	shalt  }
0x6b: {  	_ =	shalt  }
0x6c: {  	_ =	shalt  }
0x6d: {  	_ =	shalt  }
0x6e: {  	_ =	shalt  }
0x6f: {  	_ =	shalt  }
0x70: {  	_ =	shalt  }
0x71: {  	_ =	shalt  }
0x72: {  	_ =	shalt  }
0x73: {  	_ =	shalt  }
0x74: {  	_ =	shalt  }
0x75: {  	_ =	shalt  }
0x76: {  	_ =	shalt  }
0x77: {  	_ =	shalt  }
0x78: {  	_ =	shalt  }
0x79: {  	_ =	shalt  }
0x7a: {  	_ =	shalt  }
0x7b: {  	_ =	shalt  }
0x7c: {  	_ =	shalt  }
0x7d: {  	_ =	shalt  }
0x7e: {  	_ =	shalt  }
0x7f: {  	_ =	shalt  }
0x80: {  	_ =	shalt  }
0x81: {  	_ =	shalt  }
0x82: {  	_ =	shalt  }
0x83: {  	_ =	shalt  }
0x84: {  	_ =	shalt  }
0x85: {  	_ =	shalt  }
0x86: {  	_ =	shalt  }
0x87: {  	_ =	shalt  }
.Lfunc_end0:
.L_simem_size_0:
called_computation_lowered:
.L_overlay_start_0:
0x88: {  	s2 =	sld [smem:$0x3FD9]  }
0x89: {  	s3 =	sld [smem:$0x3FFE];
	_ =	sdelay $0x1  }
0x8a: {  	s1 =	srdreg.scid  }
0x8b: {  	s0 =	sand.u32 $0x1, s1  }
0x8c: {  	s17 =	sshll.u32 s0, $0xA;
	s2 =	sadd.s32 s3, s2  }
0x8d: {  	s2 =	sadd.s32 s2, s17  }
0x8e: {  	[smem:$0x3FBE] =	sst s2  }
0x8f: {  	_ = 	snop  }
0x90: {  	s2 =	sld [smem:$0x3FC9]  }
0x91: {  	s18 =	sld [smem:$0x3FD0];
	(tm) =	ssettm $0x1  }
0x92: {  	s4 =	sld [smem:$0x3FFB];
	_ =	sdelay $0x3  }
0x93: {  	_ =	strace s4  }
0x94: {  	s4 =	sld [smem:$0x3FFC];
	_ =	sdelay $0x3  }
0x95: {  	_ =	strace s4  }
0x96: {  	s4 =	sld [smem:$0x3FFD];
	_ =	sdelay $0x3  }
0x97: {  	_ =	strace s4  }
0x98: {  	_ =	strace $0x8FFFFFFF  }
0x99: {  	s19 =	sld [smem:$0x3FDB];
	_ =	sdelay $0x1  }
0x9a: {  	s5 =	simm.s32 $_scs_section_size  }
0x9b: {  	s6 =	simm.s32 $_size__tile_overlayer_lowered;
	s7 =	simm.s32 $_tile_overlayer_lowered  }
0x9c: {  	s22 =	simm.s32 $0x1BFF;
	s21 =	sshll.u32 s7, $0x1;
	s4 =	sadd.s32 s5, s19  }
0x9d: {  	s8 =	simm.s32 $0x0;
	s20 =	sshll.u32 s6, $0x1;
	s6 =	sadd.s32 s21, s4  }
0x9e: {  	[timem:s8], [sflag:s22] =	dma.local [hbm:s6], s20  }
0x9f: {  	_ =	swait.ge [sflag:s22], s20  }
0xa0: {  	s5 =	ssub.s32 $0x0, s20;
	[sflag:s22] =	ssyncset.done $0x0  }
0xa1: {  	[sflag:s22] =	ssyncadd.s32 s5;
	_ =	sdelay $0x1  }
0xa2: {  	s23 =	simm.s32 $0x1B8B  }
0xa3: {  	_ =	swait.ge [sflag:s23], $0x1  }
0xa4: {  	[sflag:s23] =	ssyncset.done $0x0  }
0xa5: {  	s25 =	simm.s32 $0x1B8E;
	s24 =	sld [smem:$0x3FFE];
	[sflag:s23] =	ssyncadd.s32 $0xFFFFFFFF  }
0xa6: {  	s26 =	simm.s32 $execute0_lowered;
	[smem:$0x3FD2] =	sst s25  }
0xa7: {  	s6 =	sshll.u32 s26, $0x1;
	_ =	strace $0x80000046;
	[dreg:$0x1] =	wrdreg $0xFFFFFFFF  }
0xa8: {  	s28 =	simm.s32 $_size_execute0_lowered;
	s4 =	sadd.s32 s4, s6;
	[dreg:$0x0] =	wrdreg $0x0  }
0xa9: {  	s6 =	sshll.u32 s28, $0x1;
	[dreg:$0x2] =	wrdreg s4  }
0xaa: {  	[dreg:$0x3] =	wrdreg s6  }
0xab: {  	[dreg:$0x4] =	wrdreg $0xC0  }
0xac: {  	_ =	task [dreg:s8], $0x5FFFF  }
0xad: {  	[dreg:$0x1] =	wrdreg $0xFFFFFFFF  }
0xae: {  	[dreg:$0x0] =	wrdreg $0x60  }
0xaf: {  	[dreg:$0x2] =	wrdreg s2  }
0xb0: {  	[dreg:$0x3] =	wrdreg s24  }
0xb1: {  	[dreg:$0x4] =	wrdreg s18  }
0xb2: {  	[dreg:$0x5] =	wrdreg $0xB7800  }
0xb3: {  	[dreg:$0x6] =	wrdreg $0x9  }
0xb4: {  	_ =	task.clear_ibuf [dreg:s8], $0x7FFFF;
	_ =	strace $0x90000046  }
0xb5: {  	s29 =	simm.s32 $0x9;
	_ =	strace $0x80000048  }
0xb6: {  	_ =	swait.ge [sflag:s29], $0x1  }
0xb7: {  	[sflag:s29] =	ssyncadd.s32 $0xFFFFFFFF  }
0xb8: {  	_ =	strace $0x90000048  }
0xb9: {  	_ =	sfence  }
0xba: {  	s30 =	sld [smem:$0x0];
	_ =	sdelay $0x2  }
0xbb: {  	s31 =	sshll.u32 s1, $0xD;
	s1 =	sshrl.u32 s1, $0x2  }
0xbc: {  	s3 =	sand.u32 $0x4000, s31;
	s1 =	sadd.s32 s1, s30  }
0xbd: {  	s0 =	sor.u32 s3, s0;
	s1 =	sshll.u32 s1, $0x11  }
0xbe: {  	s0 =	sor.u32 s1, s0  }
0xbf: {  	s0 =	sadd.s32 $0x8F2B, s0  }
0xc0: {  	[sflag:s0] =	ssyncadd.remote.s32 $0x1  }
0xc1: {  	_ =	sfence.sel $0xFFFF  }
0xc2: {  	[dreg:$0x0] =	wrdreg $0xFFFFFFFF;
	(pc) =	sbr.abs _section_cstart, $3  }
0xc3: {  	[dreg:$0x1] =	wrdreg $0xFFFFFFFF  }
0xc4: {  	_ =	task.clear_ibuf [dreg:s8], $0x2FFFF;
	_ =	strace $0x9FFFFFFF  }
0xc5: {  	(tm) =	ssettm $0x7FFFFFFF  }
tec
execute0_lowered:
.L_overlay_start_1:
0x0: {  	(tag) =	ssettag $0x1  }
0x1: {  	s1 =	rddreg [dreg:$0x0]  }
0x2: {  	s2 =	srdreg.scid;
	s5 =	rddreg [dreg:$0x1]  }
0x3: {  	s0 =	stileid.u32;
	s10 =	rddreg [dreg:$0x2]  }
0x4: {  	s17 =	simm.s32 $0x400;
	s18 =	simm.s32 $0x2780;
	s20 =	simm.s32 $0x4  }
0x5: {  	s21 =	simm.s32 $0x1;
	s28 =	simm.s32 $0x6580;
	s29 =	simm.s32 $0x0  }
0x6: {  	s2 =	sand.u32 $0x1, s2;
	s3 =	sshll.u32 s0, $0x1;
	s9 =	smul.u32 $0x270, s0  }
0x7: {  	s22 =	sshrl.u32 s0, $0x2;
	s14 =	sadd.s32 $0x1C200, s5;
	s11 =	smul.u32 $0x4E000, s0  }
0x8: {  	s12 =	sadd.s32 $0x6A400, s5;
	s25 =	smul.u32 $0x2700, s0;
	s31 =	sshll.u32 s0, $0x6  }
0x9: {  	p0 =	sne.s32 s0, $0xF;
	s6 =	sor.u32 s2, s3;
	s7 =	smul.u32 $0x13C00, s22  }
0xa: {  	s3 =	rddreg [dreg:$0x3];
	s23 =	ssub.s32 $0x2, s2;
	s30 =	smul.u32 $0x2710, s2  }
0xb: {  	s2 =	smul.u32 $0x138800, s2;
	s22 =	simm.s32 $0x2;
	s4 =	sshll.u32 s6, $0x7  }
0xc: {  	s6 =	sshll.u32 s6, $0xB;
	s24 =	sshrl.u32 s23, $0x1;
	s26 =	sshrl.u32 s11, $0x2  }
0xd: {  	s8 =	sand.u32 $0x380, s4;
	s4 =	simm.s32 $0x0;
	s6 =	sadd.s32 s6, s5  }
0xe: {  	s15 =	ssub.s32 s23, s24;
	s19 =	sadd.s32 s26, s3;
	s11 =	sadd.s32 s9, s30  }
0xf: {  	s9 =	sadd.s32 $0x138000, s3;
	s2 =	sshrl.u32 s2, $0x3;
	s23 =	simm.s32 $0x50  }
0x10: {  	s24 =	simm.s32 $0x6780;
	s26 =	simm.s32 $0x8F80;
	s7 =	sor.u32 s7, s8  }
0x11: {  	[smem:$0x7FF] =	sst s4;
	s6 =	sadd.s32 $0x2400, s6;
	s8 =	sor.u32 $0x1C04, s31  }
0x12: {  	s13 =	sshll.u32 s11, $0x4;
	s2 =	sadd.s32 $0x27000, s2;
	s15 =	smax.u32 s15, $0x1  }
0x13: {  	s19 =	sshrl.u32 s19, $0x3;
	s7 =	sshrl.u32 s7, $0x3;
	_ =	strace $0x80000047  }
0x14: {  	s11 =	sadd.s32 s12, s13;
	s12 =	sadd.s32 s12, s2;
	s7 =	sadd.s32 s7, s5  }
0x15: {  	s13 =	sadd.s32 s14, s13;
	s14 =	sadd.s32 s14, s2;
	s5 =	sadd.s32 $0x12400, s7  }
0x16: {  	v0 =	vimm.f32 $1.000000000e+00;
	s7 =	sadd.s32 s10, s25;
	s10 =	sadd.s32 $0x27000, s10;
	s25 =	simm.s32 $0x3  }
.LBB2_1:
0x17: {  	s0 =	simm.s32 $0x80  }
0x18: {  	[tilespmem:s4], [sflag:$0x1] =	stream.strided.gather [hbm4b:s5+s0], $0x2780, s17, s0, $0x38;
	[tilespmem:$0x1F000] =	vst v63  }
0x19: {  	_ = 	snop  }
0x1a: {  	[tilespmem:s18], [sflag:$0x2] =	stream.linear.gather [hbm4b:s6+s4], $0x3E80, $0x38;
	[tilespmem:$0x1F000] =	vst v63  }
0x1b: {  	[spmem:s19], [sflag:s8] =	dma.local [hbm:s7], $0x2700  }
0x1c: {  	_ =	swait.ge [sflag:s20], $0x2700  }
0x1d: {  	[sflag:s20] =	ssyncset.done $0x0  }
0x1e: {  	s30 =	sshrl.u32 @!p0 s9, $0x3;
	s2 =	simm.s32 @!p0 $0x4;
	[sflag:s20] =	ssyncadd.s32 $0xFFFFD900  }
0x1f: {  	[spmem:s30], [sflag:s8] =	dma.local @!p0 [hbm:s10], $0x100  }
0x20: {  	_ =	swait.ge @!p0 [sflag:s2], $0x100  }
0x21: {  	[sflag:s2] =	ssyncset.done @!p0 $0x0  }
0x22: {  	s31 =	simm.s32 $0x200;
	[sflag:s2] =	ssyncadd.s32 @!p0 $0xFFFFFF00;
	s2 =	simm.s32 $0x0  }
.LBB2_2:
0x23: {  	p1 =	sne.s32 s31, $0x9E00;
	[tilespmem:s2+$0x67F0] =	vst v0  }
0x24: {  	[tilespmem:s2+$0x6780] =	vst v0  }
0x25: {  	[tilespmem:s2+$0x6790] =	vst v0  }
.Ltmp0:
0x26: {  	[tilespmem:s2+$0x67A0] =	vst v0;
	(pc) =	sbr.rel @p1 .LBB2_2-.Ltmp0, $4  }
0x27: {  	[tilespmem:s2+$0x67B0] =	vst v0  }
0x28: {  	[tilespmem:s2+$0x67C0] =	vst v0  }
0x29: {  	[tilespmem:s2+$0x67D0] =	vst v0  }
0x2a: {  	[tilespmem:s2+$0x67E0] =	vst v0;
	s2 =	sshra.s32 s31, $0x2;
	s31 =	sadd.s32 $0x200, s31  }
0x2b: {  	[tilespmem:s2+$0x67F0] =	vst v0  }
0x2c: {  	[tilespmem:s2+$0x6780] =	vst v0  }
0x2d: {  	[tilespmem:s2+$0x6790] =	vst v0  }
0x2e: {  	[tilespmem:s2+$0x67A0] =	vst v0  }
0x2f: {  	[tilespmem:s2+$0x67B0] =	vst v0  }
0x30: {  	[tilespmem:s2+$0x67C0] =	vst v0  }
0x31: {  	[tilespmem:s2+$0x67D0] =	vst v0  }
0x32: {  	[tilespmem:s2+$0x67E0] =	vst v0  }
0x33: {  	_ =	swait.ge [sflag:s21], $0x2780  }
0x34: {  	[sflag:s21] =	ssyncset.done $0x0  }
0x35: {  	[sflag:s21] =	ssyncadd.s32 $0xFFFFD880  }
0x36: {  	_ =	swait.ge [sflag:s22], $0x3E80  }
0x37: {  	[sflag:s22] =	ssyncset.done $0x0  }
0x38: {  	[sflag:s22] =	ssyncadd.s32 $0xFFFFC180  }
0x39: {  	s2 =	simm.s32 $0x0;
	s31 =	simm.s32 $0x2780;
	[bflag:$0x0] =	sbarrier.arrive $0xFFFF  }
.LBB2_4:
0x3a: {  	[spmem:s3] =	stream.indirect.scatter.add.f32 [tilespmem:s24], [sflag:$0x3], $0x80, s31, s23, $0xb8;
	[tilespmem:$0x1F000] =	vst v63  }
0x3b: {  	p1 =	slt.u32 s2, $0x40;
	s2 =	sadd.s32 $0x1, s2  }
0x3c: {  	p2 =	sne.s32 s2, $0x7D  }
.Ltmp1:
0x3d: {  	_ = 	snop;
	(pc) =	sbr.rel @p2 .LBB2_4-.Ltmp1, $4  }
0x3e: {  	s0 =	simm.s32 @!p1 $0x3  }
0x3f: {  	_ =	swait.ge @!p1 [sflag:s0], $0x2800  }
0x40: {  	[sflag:s0] =	ssyncset.done @!p1 $0x0  }
0x41: {  	s31 =	sadd.s32 $0x80, s31;
	[sflag:s0] =	ssyncadd.s32 @!p1 $0xFFFFD800  }
0x42: {  	_ =	swait.ge [sflag:s25], $0x2800  }
0x43: {  	s2 =	simm.s32 $0x3F;
	[sflag:s25] =	ssyncset.done $0x0  }
.LBB2_6:
0x44: {  	p1 =	sne.s32 s2, $0x1;
	s2 =	sadd.s32 $0xFFFFFFFF, s2;
	[sflag:s25] =	ssyncadd.s32 $0xFFFFD800  }
.Ltmp2:
0x45: {  	(pc) =	sbr.rel @p1 .LBB2_6-.Ltmp2, $3  }
0x46: {  	_ =	sdelay $0x1  }
0x47: {  	_ =	swait.ge [sflag:s25], $0x2800  }
0x48: {  	[sflag:s25] =	ssyncset.done $0x0  }
0x49: {  	[sflag:s25] =	ssyncadd.s32 $0xFFFFD800  }
0x4a: {  	[tilespmem:s24], [sflag:$0x1] =	stream.indirect.gather [hbm4b:s1+s23], $0x80, s4, s23, $0xb8;
	[tilespmem:$0x1F000] =	vst v63  }
0x4b: {  	[bflag:$0x0] =	sbarrier.arrive $0xFFFF  }
0x4c: {  	[hbm:s11], [sflag:s8] =	dma.local [spmem:s19], $0x2700  }
0x4d: {  	_ =	swait.ge [sflag:s20], $0x2700  }
0x4e: {  	[sflag:s20] =	ssyncset.done $0x0  }
0x4f: {  	s0 =	simm.s32 @!p0 $0x4;
	[sflag:s20] =	ssyncadd.s32 $0xFFFFD900  }
0x50: {  	[hbm:s12], [sflag:s8] =	dma.local @!p0 [spmem:s30], $0x100  }
0x51: {  	_ =	swait.ge @!p0 [sflag:s0], $0x100  }
0x52: {  	[sflag:s0] =	ssyncset.done @!p0 $0x0  }
0x53: {  	[sflag:s0] =	ssyncadd.s32 @!p0 $0xFFFFFF00  }
0x54: {  	s31 =	simm.s32 $0x50;
	[bflag:$0x0] =	sbarrier.arrive $0xFFFF  }
0x55: {  	[tilespmem:s26], [sflag:$0x2] =	stream.indirect.gather [hbm4b:s1+s23], $0x80, s31, s23, $0xb8;
	[tilespmem:$0x1F000] =	vst v63  }
0x56: {  	_ =	swait.ge [sflag:s21], $0x2800  }
0x57: {  	[sflag:s21] =	ssyncset.done $0x0  }
0x58: {  	s16 =	simm.s32 $0x2780;
	[sflag:s21] =	ssyncadd.s32 $0xFFFFD800  }
0x59: {  	[spmem:s3] =	stream.indirect.scatter.add.f32 [tilespmem:s24], [sflag:$0x4], $0x80, s16, s23, $0xb8;
	[tilespmem:$0x1F000] =	vst v63  }
0x5a: {  	_ =	swait.ge [sflag:s20], $0x2800  }
0x5b: {  	[sflag:s20] =	ssyncset.done $0x0  }
0x5c: {  	s2 =	simm.s32 $0xA0;
	[sflag:s20] =	ssyncadd.s32 $0xFFFFD800  }
0x5d: {  	[tilespmem:s24], [sflag:$0x1] =	stream.indirect.gather [hbm4b:s1+s23], $0x80, s2, s23, $0xb8;
	[tilespmem:$0x1F000] =	vst v63  }
0x5e: {  	_ =	swait.ge [sflag:s22], $0x2800  }
0x5f: {  	[sflag:s22] =	ssyncset.done $0x0  }
0x60: {  	s16 =	simm.s32 $0x2800;
	[sflag:s22] =	ssyncadd.s32 $0xFFFFD800  }
0x61: {  	[spmem:s3] =	stream.indirect.scatter.add.f32 [tilespmem:s26], [sflag:$0x4], $0x80, s16, s23, $0xb8;
	[tilespmem:$0x1F000] =	vst v63  }
0x62: {  	_ =	swait.ge [sflag:s20], $0x2800  }
0x63: {  	s2 =	simm.s32 $0x400;
	[sflag:s20] =	ssyncset.done $0x0  }
.LBB2_8:
0x64: {  	p1 =	sne.s32 s2, $0xF400;
	[sflag:s20] =	ssyncadd.s32 $0xFFFFD800;
	s31 =	sadd.s32 $0xA0, s31  }
0x65: {  	[tilespmem:s26], [sflag:$0x2] =	stream.indirect.gather [hbm4b:s1+s23], $0x80, s31, s23, $0xb8;
	[tilespmem:$0x1F000] =	vst v63  }
0x66: {  	s0 =	smov.u32 s2;
	s2 =	sadd.s32 $0x400, s2;
	_ =	swait.ge [sflag:s21], $0x2800  }
0x67: {  	s0 =	sshra.s32 s0, $0x2;
	[sflag:s21] =	ssyncset.done $0x0  }
0x68: {  	s16 =	sadd.s32 $0x2780, s0;
	[sflag:s21] =	ssyncadd.s32 $0xFFFFD800  }
0x69: {  	[spmem:s3] =	stream.indirect.scatter.add.f32 [tilespmem:s24], [sflag:$0x4], $0x80, s16, s23, $0xb8;
	[tilespmem:$0x1F000] =	vst v63  }
0x6a: {  	_ =	swait.ge [sflag:s20], $0x2800  }
0x6b: {  	[sflag:s20] =	ssyncset.done $0x0  }
0x6c: {  	s16 =	sadd.s32 $0x50, s31;
	[sflag:s20] =	ssyncadd.s32 $0xFFFFD800  }
0x6d: {  	[tilespmem:s24], [sflag:$0x1] =	stream.indirect.gather [hbm4b:s1+s23], $0x80, s16, s23, $0xb8;
	[tilespmem:$0x1F000] =	vst v63  }
0x6e: {  	_ =	swait.ge [sflag:s22], $0x2800  }
.Ltmp3:
0x6f: {  	[sflag:s22] =	ssyncset.done $0x0;
	(pc) =	sbr.rel @p1 .LBB2_8-.Ltmp3, $4  }
0x70: {  	s0 =	sadd.s32 $0x2800, s0;
	[sflag:s22] =	ssyncadd.s32 $0xFFFFD800  }
0x71: {  	[spmem:s3] =	stream.indirect.scatter.add.f32 [tilespmem:s26], [sflag:$0x4], $0x80, s0, s23, $0xb8;
	[tilespmem:$0x1F000] =	vst v63  }
0x72: {  	_ =	swait.ge [sflag:s20], $0x2800  }
0x73: {  	[sflag:s20] =	ssyncset.done $0x0  }
0x74: {  	[sflag:s20] =	ssyncadd.s32 $0xFFFFD800  }
0x75: {  	_ =	swait.ge [sflag:s21], $0x2800  }
0x76: {  	[sflag:s21] =	ssyncset.done $0x0  }
0x77: {  	[sflag:s21] =	ssyncadd.s32 $0xFFFFD800  }
0x78: {  	[spmem:s3] =	stream.indirect.scatter.add.f32 [tilespmem:s24], [sflag:$0x4], $0x80, s28, s23, $0xb8;
	[tilespmem:$0x1F000] =	vst v63  }
0x79: {  	_ =	swait.ge [sflag:s20], $0x2800  }
0x7a: {  	[sflag:s20] =	ssyncset.done $0x0  }
0x7b: {  	[sflag:s20] =	ssyncadd.s32 $0xFFFFD800  }
0x7c: {  	[bflag:$0x0] =	sbarrier.arrive $0xFFFF  }
0x7d: {  	[hbm:s13], [sflag:s8] =	dma.local [spmem:s19], $0x2700  }
0x7e: {  	s29 =	sadd.s32 $0x1, s29;
	_ =	swait.ge [sflag:s20], $0x2700  }
0x7f: {  	p1 =	sne.s32 s29, s15;
	[sflag:s20] =	ssyncset.done $0x0  }
.Ltmp4:
0x80: {  	s0 =	simm.s32 @!p0 $0x4;
	[sflag:s20] =	ssyncadd.s32 $0xFFFFD900;
	(pc) =	sbr.rel @p1 .LBB2_1-.Ltmp4, $4  }
0x81: {  	[hbm:s14], [sflag:s8] =	dma.local @!p0 [spmem:s30], $0x100  }
0x82: {  	_ =	swait.ge @!p0 [sflag:s0], $0x100  }
0x83: {  	[sflag:s0] =	ssyncset.done @!p0 $0x0  }
0x84: {  	[sflag:s0] =	ssyncadd.s32 @!p0 $0xFFFFFF00  }
0x85: {  	_ =	sfence.sel $0x180000  }
0x86: {  	[bflag:$0x0] =	sbarrier.arrive $0xFFFF  }
0x87: {  	_ =	strace $0x90000047  }
0x88: {  	s0 =	stileid.u32;
	[bflag:$0x2] =	sbarrier.arrive $0xFFFF  }
0x89: {  	p0 =	sne.s32 s0, $0x0;
	s0 =	rddreg [dreg:$0x4]  }
0x8a: {  	s0 =	sadd.s32 @!p0 $0x100000, s0  }
0x8b: {  	[sflag:s0] =	ssyncadd.tile.s32 @!p0 $0x1;
	_ =	shalt  }
.Lfunc_end2:
_tile_overlayer_lowered:
.L_overlay_start_2:
0x8c: {  	(tag) =	ssettag $0x2  }
0x8d: {  	s0 =	rddreg [dreg:$0x0];
	s2 =	stileid.u32  }
0x8e: {  	s1 =	rddreg [dreg:$0x1];
	p0 =	sne.s32 s2, $0x0  }
0x8f: {  	s3 =	rddreg [dreg:$0x2];
	[bflag:$0x3] =	sbarrier.arrive $0xFFFF;
	s2 =	simm.s32 @!p0 $0x1C04  }
0x90: {  	[timem:s3], [sflag:s2] =	dma.local @!p0 [hbm:s0], s1  }
0x91: {  	s0 =	simm.s32 @!p0 $0x4  }
0x92: {  	_ =	swait.ge @!p0 [sflag:s0], s1  }
0x93: {  	s1 =	ssub.s32 @!p0 $0x0, s1;
	[sflag:s0] =	ssyncset.done @!p0 $0x0  }
0x94: {  	[sflag:s0] =	ssyncadd.s32 @!p0 s1  }
0x95: {  	[bflag:$0x3] =	sbarrier.arrive $0xFFFF  }
0x96: {  	_ =	shalt  }

// kernel: kernel.9.cloned.1.call-start
scs
__scs_entry_jumppad:
0x0: {  	(pc) =	sbr.rel $0x88, $3  }
0x1: {  	(tag) =	ssettag $0x0;
	lr =	simm.s32 $0x1  }
0x2: {  	[smem:$0x3F97] =	sst lr;
	_ =	strace $0xD0000000  }
0x3: {  	_ = 	snop  }
0x4: {  	_ = 	snop  }
0x5: {  	_ = 	snop  }
0x6: {  	_ = 	snop  }
0x7: {  	_ = 	snop  }
__scs_overlays_trampoline_lowered:
0x8: {  	[smem:$0x3FA6] =	sst s0  }
0x9: {  	[smem:$0x3FA7] =	sst s1  }
0xa: {  	[smem:$0x3FA8] =	sst s2  }
0xb: {  	[smem:$0x3FA9] =	sst s3  }
0xc: {  	[smem:$0x3FAA] =	sst s4  }
0xd: {  	[smem:$0x3FAB] =	sst s5  }
0xe: {  	[smem:$0x3FAC] =	sst s6  }
0xf: {  	[smem:$0x3FAD] =	sst s7  }
0x10: {  	[smem:$0x3FAE] =	sst s8  }
0x11: {  	[smem:$0x3FAF] =	sst s9;
	s0 =	simm.s32 @!p0 $0x0  }
0x12: {  	s1 =	sld [smem:$0x3F95];
	s0 =	simm.s32 @p0 $0x1  }
0x13: {  	[smem:$0x3FB0] =	sst s0;
	s0 =	simm.s32 @!p1 $0x0  }
0x14: {  	s2 =	sld [smem:$0x3F94];
	s0 =	simm.s32 @p1 $0x1  }
0x15: {  	[smem:$0x3FB1] =	sst s0;
	s0 =	simm.s32 @!p2 $0x0  }
0x16: {  	s3 =	sld [smem:$0x3FDB];
	s0 =	simm.s32 @p2 $0x1  }
0x17: {  	s4 =	simm.s32 $0x1BF5;
	[smem:$0x3FB3] =	sst s0  }
0x18: {  	s0 =	sld [smem:$0x3F96];
	_ =	swait.ge [sflag:s4], $0x0  }
0x19: {  	s7 =	sld [smem:$0x3F97]  }
0x1a: {  	s8 =	sadd.s32 $0xFFFFE003, lr  }
0x1b: {  	s9 =	sadd.s32 $0xFFFFFEF7, lr;
	s5 =	simm.s32 $0xFFFFFFFF;
	p2 =	slt.u32 s8, $0xFFFFF086  }
0x1c: {  	p1 =	slt.u32 s9, $0xF7A;
	s5 =	simm.s32 @!p2 $0x0  }
0x1d: {  	s5 =	simm.s32 @p1 $0x1;
	p0 =	seq.s32 s7, s2  }
0x1e: {  	s7 =	smul.u32 @!p0 $0xF7A, s2;
	p2 =	seq.s32 @!p0 s5, $0x0  }
0x1f: {  	s9 =	smul.u32 $0xF7A, s1;
	s8 =	simm.s32 @!p0 $0x1BF5;
	p2 =	por !p2, p0  }
0x20: {  	[sflag:s8] =	ssyncset.s32 @!p0 $0xFFFFF086;
	s6 =	sadd.s32 @!p0 s3, s7;
	s7 =	simm.s32 @!p0 $0x108  }
0x21: {  	s3 =	sadd.s32 s3, s9;
	s6 =	sadd.s32 @!p0 $0x88, s6;
	s7 =	simm.s32 @p2 $0x1082  }
0x22: {  	[simem:s7], [sflag:s8] =	dma.local @!p0 [hbm:s6], $0xF7A  }
0x23: {  	s9 =	sor.u32 $0xD0000000, s2;
	s6 =	simm.s32 $0x108;
	_ =	swait.ge @!p0 [sflag:s8], $0x0  }
0x24: {  	s3 =	sadd.s32 $0x88, s3;
	s6 =	simm.s32 @!p1 $0x1082;
	[sflag:s4] =	ssyncset.s32 $0xFFFFF086  }
0x25: {  	[simem:s6], [sflag:s4] =	dma.local [hbm:s3], $0xF7A  }
0x26: {  	[smem:$0x3F97] =	sst s1;
	(tag) =	ssettag s2;
	_ =	strace s9  }
0x27: {  	s1 =	sld [smem:$0x3FA7]  }
0x28: {  	s2 =	sld [smem:$0x3FA8]  }
0x29: {  	s4 =	sld [smem:$0x3FAA]  }
0x2a: {  	p0 =	seq.s32 s5, $0x0;
	s5 =	sld [smem:$0x3FAB]  }
0x2b: {  	s6 =	sld [smem:$0x3FAC]  }
0x2c: {  	s7 =	sld [smem:$0x3FAD]  }
0x2d: {  	s3 =	simm.s32 $0x108;
	s8 =	sld [smem:$0x3FAE]  }
0x2e: {  	s3 =	simm.s32 @!p0 $0x1082;
	s9 =	sld [smem:$0x3FAF]  }
0x2f: {  	lr =	sadd.s32 s0, s3;
	s0 =	sld [smem:$0x3FA6]  }
0x30: {  	s3 =	sld [smem:$0x3FA9]  }
0x31: {  	[smem:$0x3FB2] =	sst s10  }
0x32: {  	s10 =	sld [smem:$0x3FB0];
	_ =	sdelay $0x3  }
0x33: {  	p0 =	seq.s32 s10, $0x1;
	s10 =	sld [smem:$0x3FB2];
	_ =	sdelay $0x3  }
0x34: {  	[smem:$0x3FB2] =	sst s10  }
0x35: {  	s10 =	sld [smem:$0x3FB1];
	_ =	sdelay $0x3  }
0x36: {  	p1 =	seq.s32 s10, $0x1;
	s10 =	sld [smem:$0x3FB2];
	_ =	sdelay $0x3  }
0x37: {  	[smem:$0x3FB2] =	sst s10  }
0x38: {  	s10 =	sld [smem:$0x3FB3]  }
0x39: {  	_ = 	snop;
	(pc) =	sbr.ind lr, $3  }
0x3a: {  	_ = 	snop  }
0x3b: {  	_ = 	snop  }
0x3c: {  	p2 =	seq.s32 s10, $0x1;
	s10 =	sld [smem:$0x3FB2]  }
0x3d: {  	_ =	shalt  }
0x3e: {  	_ =	shalt  }
0x3f: {  	_ =	shalt  }
0x40: {  	_ =	shalt  }
0x41: {  	_ =	shalt  }
0x42: {  	_ =	shalt  }
0x43: {  	_ =	shalt  }
0x44: {  	_ =	shalt  }
0x45: {  	_ =	shalt  }
0x46: {  	_ =	shalt  }
0x47: {  	_ =	shalt  }
0x48: {  	_ =	shalt  }
0x49: {  	_ =	shalt  }
0x4a: {  	_ =	shalt  }
0x4b: {  	_ =	shalt  }
0x4c: {  	_ =	shalt  }
0x4d: {  	_ =	shalt  }
0x4e: {  	_ =	shalt  }
0x4f: {  	_ =	shalt  }
0x50: {  	_ =	shalt  }
0x51: {  	_ =	shalt  }
0x52: {  	_ =	shalt  }
0x53: {  	_ =	shalt  }
0x54: {  	_ =	shalt  }
0x55: {  	_ =	shalt  }
0x56: {  	_ =	shalt  }
0x57: {  	_ =	shalt  }
0x58: {  	_ =	shalt  }
0x59: {  	_ =	shalt  }
0x5a: {  	_ =	shalt  }
0x5b: {  	_ =	shalt  }
0x5c: {  	_ =	shalt  }
0x5d: {  	_ =	shalt  }
0x5e: {  	_ =	shalt  }
0x5f: {  	_ =	shalt  }
0x60: {  	_ =	shalt  }
0x61: {  	_ =	shalt  }
0x62: {  	_ =	shalt  }
0x63: {  	_ =	shalt  }
0x64: {  	_ =	shalt  }
0x65: {  	_ =	shalt  }
0x66: {  	_ =	shalt  }
0x67: {  	_ =	shalt  }
0x68: {  	_ =	shalt  }
0x69: {  	_ =	shalt  }
0x6a: {  	_ =	shalt  }
0x6b: {  	_ =	shalt  }
0x6c: {  	_ =	shalt  }
0x6d: {  	_ =	shalt  }
0x6e: {  	_ =	shalt  }
0x6f: {  	_ =	shalt  }
0x70: {  	_ =	shalt  }
0x71: {  	_ =	shalt  }
0x72: {  	_ =	shalt  }
0x73: {  	_ =	shalt  }
0x74: {  	_ =	shalt  }
0x75: {  	_ =	shalt  }
0x76: {  	_ =	shalt  }
0x77: {  	_ =	shalt  }
0x78: {  	_ =	shalt  }
0x79: {  	_ =	shalt  }
0x7a: {  	_ =	shalt  }
0x7b: {  	_ =	shalt  }
0x7c: {  	_ =	shalt  }
0x7d: {  	_ =	shalt  }
0x7e: {  	_ =	shalt  }
0x7f: {  	_ =	shalt  }
0x80: {  	_ =	shalt  }
0x81: {  	_ =	shalt  }
0x82: {  	_ =	shalt  }
0x83: {  	_ =	shalt  }
0x84: {  	_ =	shalt  }
0x85: {  	_ =	shalt  }
0x86: {  	_ =	shalt  }
0x87: {  	_ =	shalt  }
.Lfunc_end0:
.L_simem_size_0:
called_computation.1_lowered:
.L_overlay_start_0:
0x88: {  	s2 =	sld [smem:$0x3FD9]  }
0x89: {  	s3 =	sld [smem:$0x3FFE];
	_ =	sdelay $0x1  }
0x8a: {  	s1 =	srdreg.scid  }
0x8b: {  	s0 =	sand.u32 $0x1, s1  }
0x8c: {  	s17 =	sshll.u32 s0, $0xA;
	s2 =	sadd.s32 s3, s2  }
0x8d: {  	s2 =	sadd.s32 s2, s17  }
0x8e: {  	[smem:$0x3FBE] =	sst s2  }
0x8f: {  	_ = 	snop  }
0x90: {  	s2 =	sld [smem:$0x3FD0];
	(tm) =	ssettm $0x1  }
0x91: {  	s18 =	sld [smem:$0x3FFB];
	_ =	sdelay $0x3  }
0x92: {  	_ =	strace s18  }
0x93: {  	s3 =	sld [smem:$0x3FFC];
	_ =	sdelay $0x3  }
0x94: {  	_ =	strace s3  }
0x95: {  	s3 =	sld [smem:$0x3FFD];
	_ =	sdelay $0x3  }
0x96: {  	_ =	strace s3  }
0x97: {  	_ =	strace $0x8FFFFFFF  }
0x98: {  	s19 =	sld [smem:$0x3FDB];
	_ =	sdelay $0x1  }
0x99: {  	s4 =	simm.s32 $_scs_section_size  }
0x9a: {  	s5 =	simm.s32 $_size__tile_overlayer_lowered;
	s6 =	simm.s32 $_tile_overlayer_lowered  }
0x9b: {  	s22 =	simm.s32 $0x1BFF;
	s21 =	sshll.u32 s6, $0x1;
	s3 =	sadd.s32 s4, s19  }
0x9c: {  	s7 =	simm.s32 $0x0;
	s20 =	sshll.u32 s5, $0x1;
	s5 =	sadd.s32 s21, s3  }
0x9d: {  	[timem:s7], [sflag:s22] =	dma.local [hbm:s5], s20  }
0x9e: {  	_ =	swait.ge [sflag:s22], s20  }
0x9f: {  	s4 =	ssub.s32 $0x0, s20;
	[sflag:s22] =	ssyncset.done $0x0  }
0xa0: {  	[sflag:s22] =	ssyncadd.s32 s4;
	_ =	sdelay $0x1  }
0xa1: {  	s23 =	simm.s32 $0x1B8B  }
0xa2: {  	_ =	swait.ge [sflag:s23], $0x1  }
0xa3: {  	[sflag:s23] =	ssyncset.done $0x0  }
0xa4: {  	s25 =	simm.s32 $0x1B8E;
	s24 =	sld [smem:$0x3FFE];
	[sflag:s23] =	ssyncadd.s32 $0xFFFFFFFF  }
0xa5: {  	s26 =	simm.s32 $execute0_lowered;
	[smem:$0x3FD2] =	sst s25  }
0xa6: {  	s5 =	sshll.u32 s26, $0x1;
	_ =	strace $0x80000049;
	[dreg:$0x1] =	wrdreg $0xFFFFFFFF  }
0xa7: {  	s28 =	simm.s32 $_size_execute0_lowered;
	s3 =	sadd.s32 s3, s5;
	[dreg:$0x0] =	wrdreg $0x0  }
0xa8: {  	s5 =	sshll.u32 s28, $0x1;
	[dreg:$0x2] =	wrdreg s3  }
0xa9: {  	[dreg:$0x3] =	wrdreg s5  }
0xaa: {  	[dreg:$0x4] =	wrdreg $0xC0  }
0xab: {  	_ =	task [dreg:s7], $0x5FFFF  }
0xac: {  	[dreg:$0x1] =	wrdreg $0xFFFFFFFF  }
0xad: {  	[dreg:$0x0] =	wrdreg $0x60  }
0xae: {  	[dreg:$0x2] =	wrdreg s24  }
0xaf: {  	[dreg:$0x3] =	wrdreg s2  }
0xb0: {  	[dreg:$0x4] =	wrdreg $0xB7800  }
0xb1: {  	[dreg:$0x5] =	wrdreg $0x9  }
0xb2: {  	_ =	task.clear_ibuf [dreg:s7], $0x6FFFF;
	_ =	strace $0x90000049  }
0xb3: {  	s29 =	simm.s32 $0x9;
	_ =	strace $0x8000004B  }
0xb4: {  	_ =	swait.ge [sflag:s29], $0x1  }
0xb5: {  	[sflag:s29] =	ssyncadd.s32 $0xFFFFFFFF  }
0xb6: {  	_ =	strace $0x9000004B  }
0xb7: {  	_ =	sfence  }
0xb8: {  	s30 =	sld [smem:$0x0];
	_ =	sdelay $0x2  }
0xb9: {  	s31 =	sshll.u32 s1, $0xD;
	s1 =	sshrl.u32 s1, $0x2  }
0xba: {  	s3 =	sand.u32 $0x4000, s31;
	s1 =	sadd.s32 s1, s30  }
0xbb: {  	s0 =	sor.u32 s3, s0;
	s1 =	sshll.u32 s1, $0x11  }
0xbc: {  	s0 =	sor.u32 s1, s0  }
0xbd: {  	s0 =	sadd.s32 $0x8F2B, s0  }
0xbe: {  	[sflag:s0] =	ssyncadd.remote.s32 $0x1  }
0xbf: {  	_ =	sfence.sel $0xFFFF  }
0xc0: {  	[dreg:$0x0] =	wrdreg $0xFFFFFFFF;
	(pc) =	sbr.abs _section_cstart, $3  }
0xc1: {  	[dreg:$0x1] =	wrdreg $0xFFFFFFFF  }
0xc2: {  	_ =	task.clear_ibuf [dreg:s7], $0x2FFFF;
	_ =	strace $0x9FFFFFFF  }
0xc3: {  	(tm) =	ssettm $0x7FFFFFFF  }
tec
execute0_lowered:
.L_overlay_start_1:
0x0: {  	(tag) =	ssettag $0x1  }
0x1: {  	s5 =	rddreg [dreg:$0x0]  }
0x2: {  	s1 =	srdreg.scid;
	s8 =	rddreg [dreg:$0x1]  }
0x3: {  	s0 =	stileid.u32;
	s2 =	rddreg [dreg:$0x2]  }
0x4: {  	s3 =	simm.s32 $0x0;
	s15 =	simm.s32 $0x1;
	s16 =	simm.s32 $0x50  }
0x5: {  	s17 =	simm.s32 $0x6780;
	s20 =	simm.s32 $0x3;
	s22 =	simm.s32 $0x2  }
0x6: {  	s6 =	sand.u32 $0x1, s1;
	s23 =	sshll.u32 s0, $0x1;
	s1 =	rddreg [dreg:$0x3]  }
0x7: {  	s24 =	sshrl.u32 s0, $0x2;
	[smem:$0x7FF] =	sst s3;
	s11 =	smul.u32 $0x2700, s0  }
0x8: {  	s13 =	smul.u32 $0x4E000, s0;
	s14 =	sadd.s32 $0xB8600, s5;
	s21 =	sadd.s32 $0x138000, s2  }
0x9: {  	p0 =	sne.s32 s0, $0xF;
	s18 =	sshll.u32 s0, $0x6;
	s4 =	smul.u32 $0x13C00, s24  }
0xa: {  	s7 =	sor.u32 s6, s23;
	_ =	strace $0x8000004A;
	s26 =	smul.u32 $0x27100, s6  }
0xb: {  	s10 =	ssub.s32 $0x2, s6;
	s29 =	smul.u32 $0x138800, s6;
	s18 =	sor.u32 $0x1C03, s18  }
0xc: {  	s21 =	sshrl.u32 @!p0 s21, $0x3;
	s23 =	simm.s32 $0x8F80;
	s24 =	simm.s32 $0x6580  }
0xd: {  	s25 =	sshll.u32 s7, $0x7;
	s7 =	sshll.u32 s7, $0xB;
	s12 =	sshrl.u32 s10, $0x1  }
0xe: {  	s28 =	sshrl.u32 s13, $0x2;
	s13 =	simm.s32 $0x400;
	s9 =	sand.u32 $0x380, s25  }
0xf: {  	s7 =	sadd.s32 s7, s5;
	s12 =	ssub.s32 s10, s12;
	s19 =	sadd.s32 s28, s2  }
0x10: {  	s30 =	sadd.s32 s11, s26;
	s31 =	sshrl.u32 s29, $0x3;
	s25 =	simm.s32 $0x0  }
0x11: {  	s4 =	sor.u32 s4, s9;
	s6 =	sadd.s32 $0x2400, s7;
	s7 =	sadd.s32 s8, s11  }
0x12: {  	s8 =	sadd.s32 $0x27000, s8;
	s10 =	sadd.s32 s14, s31;
	s11 =	smax.u32 s12, $0x1  }
0x13: {  	s12 =	simm.s32 $0x80;
	s19 =	sshrl.u32 s19, $0x3;
	s9 =	sshrl.u32 s4, $0x3  }
0x14: {  	s4 =	sadd.s32 $0x1C200, s5;
	s10 =	sadd.s32 $0x27000, s10;
	s9 =	sadd.s32 s9, s5  }
0x15: {  	s5 =	sadd.s32 $0x12400, s9;
	s9 =	sadd.s32 s14, s30;
	s14 =	simm.s32 $0x2780  }
.LBB2_1:
0x16: {  	[tilespmem:s3], [sflag:$0x1] =	stream.strided.gather [hbm4b:s5+s12], $0x2780, s13, s12, $0x38;
	[tilespmem:$0x1F000] =	vst v63  }
0x17: {  	_ = 	snop  }
0x18: {  	[tilespmem:s14], [sflag:$0x2] =	stream.linear.gather [hbm4b:s6+s3], $0x3E80, $0x38;
	[tilespmem:$0x1F000] =	vst v63  }
0x19: {  	_ =	swait.ge [sflag:s15], $0x2780  }
0x1a: {  	[sflag:s15] =	ssyncset.done $0x0  }
0x1b: {  	[sflag:s15] =	ssyncadd.s32 $0xFFFFD880  }
0x1c: {  	[tilespmem:s17], [sflag:$0x1] =	stream.indirect.gather [hbm4b:s4+s16], $0x80, s3, s16, $0xb8;
	[tilespmem:$0x1F000] =	vst v63  }
0x1d: {  	[spmem:s19], [sflag:s18] =	dma.local [hbm:s7], $0x2700  }
0x1e: {  	_ =	swait.ge [sflag:s20], $0x2700  }
0x1f: {  	[sflag:s20] =	ssyncset.done $0x0  }
0x20: {  	s26 =	simm.s32 @!p0 $0x3;
	[sflag:s20] =	ssyncadd.s32 $0xFFFFD900  }
0x21: {  	[spmem:s21], [sflag:s18] =	dma.local @!p0 [hbm:s8], $0x100  }
0x22: {  	_ =	swait.ge @!p0 [sflag:s26], $0x100  }
0x23: {  	[sflag:s26] =	ssyncset.done @!p0 $0x0  }
0x24: {  	[sflag:s26] =	ssyncadd.s32 @!p0 $0xFFFFFF00  }
0x25: {  	_ =	swait.ge [sflag:s22], $0x3E80  }
0x26: {  	[sflag:s22] =	ssyncset.done $0x0  }
0x27: {  	[sflag:s22] =	ssyncadd.s32 $0xFFFFC180  }
0x28: {  	[bflag:$0x0] =	sbarrier.arrive $0xFFFF  }
0x29: {  	[tilespmem:s23], [sflag:$0x2] =	stream.indirect.gather [hbm4b:s4+s16], $0x80, s16, s16, $0xb8;
	[tilespmem:$0x1F000] =	vst v63  }
0x2a: {  	_ =	swait.ge [sflag:s15], $0x2800  }
0x2b: {  	[sflag:s15] =	ssyncset.done $0x0  }
0x2c: {  	s29 =	simm.s32 $0x2780;
	[sflag:s15] =	ssyncadd.s32 $0xFFFFD800  }
0x2d: {  	[spmem:s2] =	stream.indirect.scatter.add.f32 [tilespmem:s17], [sflag:$0x3], $0x80, s29, s16, $0xb8;
	[tilespmem:$0x1F000] =	vst v63  }
0x2e: {  	_ =	swait.ge [sflag:s20], $0x2800  }
0x2f: {  	[sflag:s20] =	ssyncset.done $0x0  }
0x30: {  	s30 =	simm.s32 $0xA0;
	[sflag:s20] =	ssyncadd.s32 $0xFFFFD800  }
0x31: {  	[tilespmem:s17], [sflag:$0x1] =	stream.indirect.gather [hbm4b:s4+s16], $0x80, s30, s16, $0xb8;
	[tilespmem:$0x1F000] =	vst v63  }
0x32: {  	_ =	swait.ge [sflag:s22], $0x2800  }
0x33: {  	[sflag:s22] =	ssyncset.done $0x0  }
0x34: {  	s31 =	simm.s32 $0x2800;
	[sflag:s22] =	ssyncadd.s32 $0xFFFFD800  }
0x35: {  	[spmem:s2] =	stream.indirect.scatter.add.f32 [tilespmem:s23], [sflag:$0x3], $0x80, s31, s16, $0xb8;
	[tilespmem:$0x1F000] =	vst v63  }
0x36: {  	_ =	swait.ge [sflag:s20], $0x2800  }
0x37: {  	s28 =	simm.s32 $0x50;
	s26 =	simm.s32 $0x400;
	[sflag:s20] =	ssyncset.done $0x0  }
.LBB2_2:
0x38: {  	p1 =	sne.s32 s26, $0xF400;
	[sflag:s20] =	ssyncadd.s32 $0xFFFFD800;
	s28 =	sadd.s32 $0xA0, s28  }
0x39: {  	[tilespmem:s23], [sflag:$0x2] =	stream.indirect.gather [hbm4b:s4+s16], $0x80, s28, s16, $0xb8;
	[tilespmem:$0x1F000] =	vst v63  }
0x3a: {  	s29 =	smov.u32 s26;
	s26 =	sadd.s32 $0x400, s26;
	_ =	swait.ge [sflag:s15], $0x2800  }
0x3b: {  	s29 =	sshra.s32 s29, $0x2;
	[sflag:s15] =	ssyncset.done $0x0  }
0x3c: {  	s30 =	sadd.s32 $0x2780, s29;
	[sflag:s15] =	ssyncadd.s32 $0xFFFFD800  }
0x3d: {  	[spmem:s2] =	stream.indirect.scatter.add.f32 [tilespmem:s17], [sflag:$0x3], $0x80, s30, s16, $0xb8;
	[tilespmem:$0x1F000] =	vst v63  }
0x3e: {  	_ =	swait.ge [sflag:s20], $0x2800  }
0x3f: {  	[sflag:s20] =	ssyncset.done $0x0  }
0x40: {  	s30 =	sadd.s32 $0x50, s28;
	[sflag:s20] =	ssyncadd.s32 $0xFFFFD800  }
0x41: {  	[tilespmem:s17], [sflag:$0x1] =	stream.indirect.gather [hbm4b:s4+s16], $0x80, s30, s16, $0xb8;
	[tilespmem:$0x1F000] =	vst v63  }
0x42: {  	_ =	swait.ge [sflag:s22], $0x2800  }
.Ltmp0:
0x43: {  	[sflag:s22] =	ssyncset.done $0x0;
	(pc) =	sbr.rel @p1 .LBB2_2-.Ltmp0, $4  }
0x44: {  	s29 =	sadd.s32 $0x2800, s29;
	[sflag:s22] =	ssyncadd.s32 $0xFFFFD800  }
0x45: {  	[spmem:s2] =	stream.indirect.scatter.add.f32 [tilespmem:s23], [sflag:$0x3], $0x80, s29, s16, $0xb8;
	[tilespmem:$0x1F000] =	vst v63  }
0x46: {  	_ =	swait.ge [sflag:s20], $0x2800  }
0x47: {  	[sflag:s20] =	ssyncset.done $0x0  }
0x48: {  	[sflag:s20] =	ssyncadd.s32 $0xFFFFD800  }
0x49: {  	_ =	swait.ge [sflag:s15], $0x2800  }
0x4a: {  	[sflag:s15] =	ssyncset.done $0x0  }
0x4b: {  	[sflag:s15] =	ssyncadd.s32 $0xFFFFD800  }
0x4c: {  	[spmem:s2] =	stream.indirect.scatter.add.f32 [tilespmem:s17], [sflag:$0x3], $0x80, s24, s16, $0xb8;
	[tilespmem:$0x1F000] =	vst v63  }
0x4d: {  	_ =	swait.ge [sflag:s20], $0x2800  }
0x4e: {  	[sflag:s20] =	ssyncset.done $0x0  }
0x4f: {  	[sflag:s20] =	ssyncadd.s32 $0xFFFFD800  }
0x50: {  	[bflag:$0x0] =	sbarrier.arrive $0xFFFF  }
0x51: {  	[hbm:s9], [sflag:s18] =	dma.local [spmem:s19], $0x2700  }
0x52: {  	s25 =	sadd.s32 $0x1, s25;
	_ =	swait.ge [sflag:s20], $0x2700  }
0x53: {  	p1 =	sne.s32 s25, s11;
	[sflag:s20] =	ssyncset.done $0x0  }
.Ltmp1:
0x54: {  	s26 =	simm.s32 @!p0 $0x3;
	[sflag:s20] =	ssyncadd.s32 $0xFFFFD900;
	(pc) =	sbr.rel @p1 .LBB2_1-.Ltmp1, $4  }
0x55: {  	[hbm:s10], [sflag:s18] =	dma.local @!p0 [spmem:s21], $0x100  }
0x56: {  	_ =	swait.ge @!p0 [sflag:s26], $0x100  }
0x57: {  	[sflag:s26] =	ssyncset.done @!p0 $0x0  }
0x58: {  	[sflag:s26] =	ssyncadd.s32 @!p0 $0xFFFFFF00  }
0x59: {  	_ =	sfence.sel $0x180000  }
0x5a: {  	[bflag:$0x0] =	sbarrier.arrive $0xFFFF  }
0x5b: {  	p0 =	sne.s32 s0, $0x0;
	_ =	strace $0x9000004A  }
0x5c: {  	s0 =	sadd.s32 @!p0 $0x100000, s1;
	[bflag:$0x2] =	sbarrier.arrive $0xFFFF  }
0x5d: {  	[sflag:s0] =	ssyncadd.tile.s32 @!p0 $0x1;
	_ =	shalt  }
.Lfunc_end2:
_tile_overlayer_lowered:
.L_overlay_start_2:
0x5e: {  	(tag) =	ssettag $0x2  }
0x5f: {  	s0 =	rddreg [dreg:$0x0];
	s2 =	stileid.u32  }
0x60: {  	s1 =	rddreg [dreg:$0x1];
	p0 =	sne.s32 s2, $0x0  }
0x61: {  	s3 =	rddreg [dreg:$0x2];
	[bflag:$0x3] =	sbarrier.arrive $0xFFFF;
	s2 =	simm.s32 @!p0 $0x1C03  }
0x62: {  	[timem:s3], [sflag:s2] =	dma.local @!p0 [hbm:s0], s1  }
0x63: {  	s0 =	simm.s32 @!p0 $0x3  }
0x64: {  	_ =	swait.ge @!p0 [sflag:s0], s1  }
0x65: {  	s1 =	ssub.s32 @!p0 $0x0, s1;
	[sflag:s0] =	ssyncset.done @!p0 $0x0  }
0x66: {  	[sflag:s0] =	ssyncadd.s32 @!p0 s1  }
0x67: {  	[bflag:$0x3] =	sbarrier.arrive $0xFFFF  }
0x68: {  	_ =	shalt  }

</sc_bundles>
